<compile_context>
chip_gen: v7x
topology: tpu7x:2x2x1
jax: 0.10.2.dev20260603
libtpu: 0.0.44.dev20260713+nightly
codegen_flags: <defaults>
</compile_context>

<pallas_src>
import functools

import jax
import jax.numpy as jnp
from jax import lax
from jax.experimental import pallas as pl
from jax.experimental.pallas import tpu as pltpu
from jax.experimental.pallas import tpu_sc as plsc

N = 10000
NPAD = 10240
D = 128
E = 320000
G = 16
NC, NS = 2, 16
NW = NC * NS
EW = E // NW
K = 80
ET = E // NS
NCH2 = ET // K
NH = NPAD // NC
ACC = 5184
AZT = ACC // NS
RTW = NH // NS
BR = 1024
GRID = NPAD // BR


def _deg_body(dst_hbm, out_hbm, dstv, buf, shared):
    c = lax.axis_index("c")
    s = lax.axis_index("s")
    base = c * NH

    @pl.loop(0, AZT)
    def _zero(i):
        buf[i, :] = jnp.zeros((16,), jnp.float32)

    pltpu.sync_copy(buf, shared.at[pl.ds(s * AZT, AZT)])

    @pl.loop(0, K)
    def _ones(i):
        buf[i, :] = jnp.ones((16,), jnp.float32)

    pltpu.sync_copy(dst_hbm.at[s], dstv)

    @pl.loop(0, NCH2)
    def _remap(ci):
        @pl.loop(0, K, step=16)
        def _rl(j):
            v = dstv[ci, pl.ds(j, 16)] - base
            ok = (v >= 0) & (v < NH)
            dstv[ci, pl.ds(j, 16)] = jnp.where(ok, v, NH)

    plsc.subcore_barrier()

    @pl.loop(0, NCH2)
    def _scatter(ci):
        pltpu.sync_copy(buf.at[pl.ds(0, K)], shared.at[dstv.at[ci]], add=True)

    plsc.subcore_barrier()
    pltpu.sync_copy(shared.at[pl.ds(s * RTW, RTW)], out_hbm.at[c, pl.ds(s * RTW, RTW)])


def _agg_body(g_hbm, src_hbm, dst_hbm, out_hbm, srcv, dstv, rows0, rows1,
              shared, sem0, sem1):
    c = lax.axis_index("c")
    s = lax.axis_index("s")
    base = c * NH

    @pl.loop(0, K)
    def _zero(i):
        @pl.loop(0, D, step=16)
        def _zl(j):
            rows0[i, pl.ds(j, 16)] = jnp.zeros((16,), jnp.float32)

    @pl.loop(0, AZT // 36)
    def _zcopy(t):
        pltpu.sync_copy(rows0.at[pl.ds(0, 36)], shared.at[pl.ds(s * AZT + t * 36, 36)])

    pltpu.sync_copy(src_hbm.at[s], srcv)
    pltpu.sync_copy(dst_hbm.at[s], dstv)

    @pl.loop(0, NCH2)
    def _remap(ci):
        @pl.loop(0, K, step=16)
        def _rl(j):
            v = dstv[ci, pl.ds(j, 16)] - base
            ok = (v >= 0) & (v < NH)
            dstv[ci, pl.ds(j, 16)] = jnp.where(ok, v, NH)

    plsc.subcore_barrier()

    pltpu.async_copy(g_hbm.at[srcv.at[0]], rows0, sem0)

    @pl.loop(0, NCH2, step=2)
    def _pipe(ci):
        pltpu.async_copy(g_hbm.at[srcv.at[ci + 1]], rows1, sem1)
        pltpu.make_async_copy(g_hbm.at[srcv.at[ci]], rows0, sem0).wait()
        pltpu.sync_copy(rows0, shared.at[dstv.at[ci]], add=True)

        @pl.when(ci + 2 < NCH2)
        def _next():
            pltpu.async_copy(g_hbm.at[srcv.at[ci + 2]], rows0, sem0)

        pltpu.make_async_copy(g_hbm.at[srcv.at[ci + 1]], rows1, sem1).wait()
        pltpu.sync_copy(rows1, shared.at[dstv.at[ci + 1]], add=True)

    plsc.subcore_barrier()
    pltpu.sync_copy(shared.at[pl.ds(s * RTW, RTW)], out_hbm.at[c, pl.ds(s * RTW, RTW)])


def _sc_deg(dst2):
    mesh = plsc.VectorSubcoreMesh(core_axis_name="c", subcore_axis_name="s")
    f = pl.kernel(
        _deg_body,
        out_type=jax.ShapeDtypeStruct((NC, NH, 16), jnp.float32),
        mesh=mesh,
        scratch_types=[
            pltpu.VMEM((NCH2, K), jnp.int32),
            pltpu.VMEM((AZT, 16), jnp.float32),
            pltpu.VMEM_SHARED((ACC, 16), jnp.float32),
        ],
    )
    return f(dst2)


def _sc_agg(g, src3, dst3):
    mesh = plsc.VectorSubcoreMesh(core_axis_name="c", subcore_axis_name="s")
    f = pl.kernel(
        _agg_body,
        out_type=jax.ShapeDtypeStruct((NC, NH, D), jnp.float32),
        mesh=mesh,
        scratch_types=[
            pltpu.VMEM((NCH2, K), jnp.int32),
            pltpu.VMEM((NCH2, K), jnp.int32),
            pltpu.VMEM((K, D), jnp.float32),
            pltpu.VMEM((K, D), jnp.float32),
            pltpu.VMEM_SHARED((ACC, D), jnp.float32),
            pltpu.SemaphoreType.DMA,
            pltpu.SemaphoreType.DMA,
        ],
    )
    return f(g, src3, dst3)


def _mm_body(x_ref, w_ref, o_ref):
    o_ref[...] = jnp.dot(x_ref[...], w_ref[...], preferred_element_type=jnp.float32)


def _tc_matmul(x, w):
    return pl.pallas_call(
        _mm_body,
        grid=(GRID,),
        in_specs=[
            pl.BlockSpec((BR, D), lambda i: (i, 0)),
            pl.BlockSpec((D, D), lambda i: (0, 0)),
        ],
        out_specs=pl.BlockSpec((BR, D), lambda i: (i, 0)),
        out_shape=jax.ShapeDtypeStruct((NPAD, D), jnp.float32),
    )(x, w)


def _scale_body(deg_ref, h_ref, g_ref, dinv_ref):
    d = deg_ref[...] + 1.0
    dinv = lax.rsqrt(d)
    dinv_ref[...] = dinv
    g_ref[...] = h_ref[...] * dinv


def _tc_scale(degp, h):
    return pl.pallas_call(
        _scale_body,
        grid=(GRID,),
        in_specs=[
            pl.BlockSpec((BR, 1), lambda i: (i, 0)),
            pl.BlockSpec((BR, D), lambda i: (i, 0)),
        ],
        out_specs=[
            pl.BlockSpec((BR, D), lambda i: (i, 0)),
            pl.BlockSpec((BR, 1), lambda i: (i, 0)),
        ],
        out_shape=[
            jax.ShapeDtypeStruct((NPAD, D), jnp.float32),
            jax.ShapeDtypeStruct((NPAD, 1), jnp.float32),
        ],
    )(degp, h)


def _comb_body(a_ref, g_ref, dinv_ref, b_ref, w_ref, o_ref):
    dinv = dinv_ref[...]
    t = jax.nn.relu(dinv * (a_ref[...] + g_ref[...]) + b_ref[...])
    o_ref[...] = jnp.dot(t, w_ref[...], preferred_element_type=jnp.float32) * dinv


def _tc_combine_mm(agg, g, dinv2d, b, w):
    return pl.pallas_call(
        _comb_body,
        grid=(GRID,),
        in_specs=[
            pl.BlockSpec((BR, D), lambda i: (i, 0)),
            pl.BlockSpec((BR, D), lambda i: (i, 0)),
            pl.BlockSpec((BR, 1), lambda i: (i, 0)),
            pl.BlockSpec((1, D), lambda i: (0, 0)),
            pl.BlockSpec((D, D), lambda i: (0, 0)),
        ],
        out_specs=pl.BlockSpec((BR, D), lambda i: (i, 0)),
        out_shape=jax.ShapeDtypeStruct((NPAD, D), jnp.float32),
    )(agg, g, dinv2d, b, w)


def _final_body(a_ref, g_ref, dinv_ref, b_ref, batch_ref, h_ref, ge_ref):
    h = jax.nn.relu(dinv_ref[...] * (a_ref[...] + g_ref[...]) + b_ref[...])
    h_ref[...] = h
    ids = lax.broadcasted_iota(jnp.int32, (G, BR), 0)
    onehot = jnp.where(ids == batch_ref[...], 1.0, 0.0)
    contrib = jnp.dot(onehot, h, preferred_element_type=jnp.float32)
    i = pl.program_id(0)

    @pl.when(i == 0)
    def _init():
        ge_ref[...] = contrib

    @pl.when(i != 0)
    def _acc():
        ge_ref[...] += contrib


def _tc_final(agg, g, dinv2d, b, batch2d):
    return pl.pallas_call(
        _final_body,
        grid=(GRID,),
        in_specs=[
            pl.BlockSpec((BR, D), lambda i: (i, 0)),
            pl.BlockSpec((BR, D), lambda i: (i, 0)),
            pl.BlockSpec((BR, 1), lambda i: (i, 0)),
            pl.BlockSpec((1, D), lambda i: (0, 0)),
            pl.BlockSpec((1, BR), lambda i: (0, i)),
        ],
        out_specs=[
            pl.BlockSpec((BR, D), lambda i: (i, 0)),
            pl.BlockSpec((G, D), lambda i: (0, 0)),
        ],
        out_shape=[
            jax.ShapeDtypeStruct((NPAD, D), jnp.float32),
            jax.ShapeDtypeStruct((G, D), jnp.float32),
        ],
    )(agg, g, dinv2d, b, batch2d)


def kernel(x, edge_index, batch, W1, b1, W2, b2):
    src2 = edge_index[0].reshape(NS, NCH2, K)
    dst2 = edge_index[1].reshape(NS, NCH2, K)
    x_pad = jnp.pad(x, ((0, NPAD - N), (0, 0)))
    batch2d = jnp.pad(batch, (0, NPAD - N), constant_values=G).reshape(1, NPAD)
    b1r = b1.reshape(1, D)
    b2r = b2.reshape(1, D)

    degw = _sc_deg(dst2)
    h1 = _tc_matmul(x_pad, W1)

    degp = degw.reshape(NPAD, 16)[:, :1]
    g1, dinv2d = _tc_scale(degp, h1)

    agg1 = _sc_agg(g1, src2, dst2).reshape(NPAD, D)
    g2 = _tc_combine_mm(agg1, g1, dinv2d, b1r, W2)

    agg2 = _sc_agg(g2, src2, dst2).reshape(NPAD, D)
    h2full, ge = _tc_final(agg2, g2, dinv2d, b2r, batch2d)

    return h2full[:N], ge

# --- scband reference (transcript-rebuilt; emitter-appended) ---
"""Pipeline reference for scband-gnnmodel-7490422964320 (READ-ONLY COPY).

The authoritative reference and input builder live on the scoring server;
editing this copy changes nothing except your own understanding.
"""

import jax, jax.numpy as jnp
import numpy as np

N = 10000
E = 320000
D = 128
G = 16


def setup_inputs(seed: int = 0) -> dict:
    key = jax.random.key(seed)
    k1, k2, k3, k4, k5, k6, k7 = jax.random.split(key, 7)
    x = jax.random.normal(k1, (N, D), dtype=jnp.float32)
    edge_index = jax.random.randint(k2, (2, E), 0, N, dtype=jnp.int32)
    batch = jnp.sort(jax.random.randint(k3, (N,), 0, G, dtype=jnp.int32))
    scale = 1.0 / np.sqrt(D)
    W1 = jax.random.normal(k4, (D, D), dtype=jnp.float32) * scale
    b1 = jnp.zeros((D,), dtype=jnp.float32)
    W2 = jax.random.normal(k5, (D, D), dtype=jnp.float32) * scale
    b2 = jnp.zeros((D,), dtype=jnp.float32)
    return {"x": x, "edge_index": edge_index, "batch": batch, "W1": W1, "b1": b1, "W2": W2, "b2": b2}


def _gcn_conv(x, src, dst, W, b, n):
    # PyG GCNConv: linear transform, add self loops, symmetric normalization, scatter-add, bias
    h = x @ W
    loop = jnp.arange(n, dtype=src.dtype)
    s = jnp.concatenate([src, loop])
    d = jnp.concatenate([dst, loop])
    deg = jax.ops.segment_sum(jnp.ones(s.shape[0], dtype=h.dtype), d, num_segments=n)
    dinv = jnp.where(deg > 0, jax.lax.rsqrt(deg), 0.0)
    norm = dinv[s] * dinv[d]
    msg = h[s] * norm[:, None]
    out = jax.ops.segment_sum(msg, d, num_segments=n)
    return out + b


def reference(x, edge_index, batch, W1, b1, W2, b2):
    src = edge_index[0]
    dst = edge_index[1]
    n = x.shape[0]
    # Layer 1: GCNConv(-1 -> 128) + ReLU + Dropout(p=0.0, identity at eval)
    h = _gcn_conv(x, src, dst, W1, b1, n)
    h = jax.nn.relu(h)
    # Final layer: GCNConv(128 -> 128) + ReLU
    h = _gcn_conv(h, src, dst, W2, b2, n)
    h = jax.nn.relu(h)
    # readout: sum aggregation over graph ids
    graph_embedding = jax.ops.segment_sum(h, batch, num_segments=G)
    return h, graph_embedding

if __name__ == "__main__":
    import jax
    _d = setup_inputs()
    print(jax.jit(kernel)(*tuple(_d.values())))

</pallas_src>

<mosaic_0001>
#map = affine_map<(d0, d1) -> (0, 0, 0)>
module attributes {stable_mosaic.version = 14 : i64} {
  func.func @_deg_body(%arg0: i32, %arg1: i32, %arg2: memref<16x250x80xi32, #tpu.memory_space<hbm>>, %arg3: memref<2x5120x16xf32, #tpu.memory_space<hbm>>, %arg4: memref<250x80xi32, #tpu.memory_space<vmem>>, %arg5: memref<324x16xf32, #tpu.memory_space<vmem>>, %arg6: memref<5184x16xf32, #tpu.memory_space<vmem_shared>>) attributes {dimension_semantics = [#tpu.dimension_semantics<core_parallel>, #tpu.dimension_semantics<subcore_parallel>], iteration_bounds = array<i64: 2, 16>, scalar_prefetch = 0 : i64, scratch_operands = 3 : i64, tpu.core_type = #tpu.core_type<sc_vector_subcore>, window_params = [{transform_indices = #map}, {transform_indices = #map}]} {
    %mul3A = arith.constant 5120 : i32
    %mul3A_0 = arith.muli %arg0, %mul3A : i32
    %scan3A = arith.constant 0 : i32
    %scan3A_1 = arith.constant 324 : i32
    %scan3A_2 = arith.addi %scan3A, %scan3A_1 : i32
    %scan3A_3 = arith.constant 1 : i32
    scf.for %scan3A_27 = %scan3A to %scan3A_2 step %scan3A_3  : i32 {
      %mul3A_28 = arith.constant 1 : i32
      %mul3A_29 = arith.muli %scan3A_27, %mul3A_28 : i32
      %add3A = arith.constant 0 : i32
      %add3A_30 = arith.addi %add3A, %mul3A_29 : i32
      %broadcast_in_dim3A = arith.constant 0.000000e+00 : f32
      %broadcast_in_dim3A_31 = vector.broadcast %broadcast_in_dim3A : f32 to vector<16xf32>
      %swap3A = arith.index_cast %add3A_30 : i32 to index
      %swap3A_32 = arith.constant 0 : index
      %swap3A_33 = tpu.vector_load %arg5[%swap3A, %swap3A_32] {strides = array<i32>} : memref<324x16xf32, #tpu.memory_space<vmem>>, vector<1x16xf32>,
      %swap3A_34 = vector.shape_cast %swap3A_33 : vector<1x16xf32> to vector<16xf32>
      %swap3A_35 = vector.shape_cast %broadcast_in_dim3A_31 : vector<16xf32> to vector<1x16xf32>
      tpu.vector_store %arg5[%swap3A, %swap3A_32], %swap3A_35 {strides = array<i32>} : memref<324x16xf32, #tpu.memory_space<vmem>>, vector<1x16xf32>,
    }
    %scan3A_4 = arith.constant 324 : i32
    %mul3A_5 = arith.constant 324 : i32
    %mul3A_6 = arith.muli %arg1, %mul3A_5 : i32
    "tpu.region"() ({
      %run_scoped3A = tpu.sem_alloc : memref<!tpu.dma_semaphore, #tpu.memory_space<semaphore_mem>>
      %dma_start3A = arith.constant 0 : i32
      %dma_start3A_27 = tpu.memref_slice %arg6[%mul3A_6, %dma_start3A] : memref<5184x16xf32, #tpu.memory_space<vmem_shared>> -> memref<324x16xf32, #tpu.memory_space<vmem_shared>>
      %dma_start3A_28 = arith.constant 0 : i32
      %dma_start3A_29 = tpu.memref_slice %arg6[%mul3A_6, %dma_start3A_28] : memref<5184x16xf32, #tpu.memory_space<vmem_shared>> -> memref<324x16xf32, #tpu.memory_space<vmem_shared>>
      tpu.enqueue_dma source(%arg5 : memref<324x16xf32, #tpu.memory_space<vmem>>) target(%dma_start3A_29 : memref<324x16xf32, #tpu.memory_space<vmem_shared>>) target_semaphore(%run_scoped3A : memref<!tpu.dma_semaphore, #tpu.memory_space<semaphore_mem>>)
      %dma_wait3A = arith.constant 0 : i32
      %dma_wait3A_30 = tpu.memref_slice %arg6[%mul3A_6, %dma_wait3A] : memref<5184x16xf32, #tpu.memory_space<vmem_shared>> -> memref<324x16xf32, #tpu.memory_space<vmem_shared>>
      %dma_wait3A_31 = arith.constant 0 : i32
      %dma_wait3A_32 = tpu.memref_slice %arg6[%mul3A_6, %dma_wait3A_31] : memref<5184x16xf32, #tpu.memory_space<vmem_shared>> -> memref<324x16xf32, #tpu.memory_space<vmem_shared>>
      tpu.wait_dma2 semaphore(%run_scoped3A : memref<!tpu.dma_semaphore, #tpu.memory_space<semaphore_mem>>) src(%arg5 : memref<324x16xf32, #tpu.memory_space<vmem>>) dst(%dma_wait3A_32 : memref<324x16xf32, #tpu.memory_space<vmem_shared>>)
      tpu.yield
    }) : () -> ()
    %scan3A_7 = arith.constant 0 : i32
    %scan3A_8 = arith.constant 80 : i32
    %scan3A_9 = arith.addi %scan3A_7, %scan3A_8 : i32
    %scan3A_10 = arith.constant 1 : i32
    scf.for %scan3A_27 = %scan3A_7 to %scan3A_9 step %scan3A_10  : i32 {
      %mul3A_28 = arith.constant 1 : i32
      %mul3A_29 = arith.muli %scan3A_27, %mul3A_28 : i32
      %add3A = arith.constant 0 : i32
      %add3A_30 = arith.addi %add3A, %mul3A_29 : i32
      %broadcast_in_dim3A = arith.constant 1.000000e+00 : f32
      %broadcast_in_dim3A_31 = vector.broadcast %broadcast_in_dim3A : f32 to vector<16xf32>
      %swap3A = arith.index_cast %add3A_30 : i32 to index
      %swap3A_32 = arith.constant 0 : index
      %swap3A_33 = tpu.vector_load %arg5[%swap3A, %swap3A_32] {strides = array<i32>} : memref<324x16xf32, #tpu.memory_space<vmem>>, vector<1x16xf32>,
      %swap3A_34 = vector.shape_cast %swap3A_33 : vector<1x16xf32> to vector<16xf32>
      %swap3A_35 = vector.shape_cast %broadcast_in_dim3A_31 : vector<16xf32> to vector<1x16xf32>
      tpu.vector_store %arg5[%swap3A, %swap3A_32], %swap3A_35 {strides = array<i32>} : memref<324x16xf32, #tpu.memory_space<vmem>>, vector<1x16xf32>,
    }
    %scan3A_11 = arith.constant 80 : i32
    "tpu.region"() ({
      %run_scoped3A = tpu.sem_alloc : memref<!tpu.dma_semaphore, #tpu.memory_space<semaphore_mem>>
      %dma_start3A = arith.constant 0 : i32
      %dma_start3A_27 = arith.constant 0 : i32
      %dma_start3A_28 = tpu.memref_slice %arg2[%arg1, %dma_start3A, %dma_start3A_27] : memref<16x250x80xi32, #tpu.memory_space<hbm>> -> memref<1x250x80xi32, #tpu.memory_space<hbm>>
      %dma_start3A_29 = tpu.memref_squeeze %dma_start3A_28 : memref<1x250x80xi32, #tpu.memory_space<hbm>> -> memref<250x80xi32, #tpu.memory_space<hbm>>
      %dma_start3A_30 = arith.constant 0 : i32
      %dma_start3A_31 = arith.constant 0 : i32
      %dma_start3A_32 = tpu.memref_slice %arg2[%arg1, %dma_start3A_30, %dma_start3A_31] : memref<16x250x80xi32, #tpu.memory_space<hbm>> -> memref<1x250x80xi32, #tpu.memory_space<hbm>>
      %dma_start3A_33 = tpu.memref_squeeze %dma_start3A_32 : memref<1x250x80xi32, #tpu.memory_space<hbm>> -> memref<250x80xi32, #tpu.memory_space<hbm>>
      tpu.enqueue_dma source(%dma_start3A_33 : memref<250x80xi32, #tpu.memory_space<hbm>>) target(%arg4 : memref<250x80xi32, #tpu.memory_space<vmem>>) target_semaphore(%run_scoped3A : memref<!tpu.dma_semaphore, #tpu.memory_space<semaphore_mem>>)
      %dma_wait3A = arith.constant 0 : i32
      %dma_wait3A_34 = arith.constant 0 : i32
      %dma_wait3A_35 = tpu.memref_slice %arg2[%arg1, %dma_wait3A, %dma_wait3A_34] : memref<16x250x80xi32, #tpu.memory_space<hbm>> -> memref<1x250x80xi32, #tpu.memory_space<hbm>>
      %dma_wait3A_36 = tpu.memref_squeeze %dma_wait3A_35 : memref<1x250x80xi32, #tpu.memory_space<hbm>> -> memref<250x80xi32, #tpu.memory_space<hbm>>
      %dma_wait3A_37 = arith.constant 0 : i32
      %dma_wait3A_38 = arith.constant 0 : i32
      %dma_wait3A_39 = tpu.memref_slice %arg2[%arg1, %dma_wait3A_37, %dma_wait3A_38] : memref<16x250x80xi32, #tpu.memory_space<hbm>> -> memref<1x250x80xi32, #tpu.memory_space<hbm>>
      %dma_wait3A_40 = tpu.memref_squeeze %dma_wait3A_39 : memref<1x250x80xi32, #tpu.memory_space<hbm>> -> memref<250x80xi32, #tpu.memory_space<hbm>>
      tpu.wait_dma2 semaphore(%run_scoped3A : memref<!tpu.dma_semaphore, #tpu.memory_space<semaphore_mem>>) src(%dma_wait3A_40 : memref<250x80xi32, #tpu.memory_space<hbm>>) dst(%arg4 : memref<250x80xi32, #tpu.memory_space<vmem>>)
      tpu.yield
    }) : () -> ()
    %scan3A_12 = arith.constant 0 : i32
    %scan3A_13 = arith.constant 250 : i32
    %scan3A_14 = arith.addi %scan3A_12, %scan3A_13 : i32
    %scan3A_15 = arith.constant 1 : i32
    scf.for %scan3A_27 = %scan3A_12 to %scan3A_14 step %scan3A_15  : i32 {
      %mul3A_28 = arith.constant 1 : i32
      %mul3A_29 = arith.muli %scan3A_27, %mul3A_28 : i32
      %add3A = arith.constant 0 : i32
      %add3A_30 = arith.addi %add3A, %mul3A_29 : i32
      %scan3A_31 = arith.constant 0 : i32
      %scan3A_32 = arith.constant 5 : i32
      %scan3A_33 = arith.addi %scan3A_31, %scan3A_32 : i32
      %scan3A_34 = arith.constant 1 : i32
      scf.for %scan3A_36 = %scan3A_31 to %scan3A_33 step %scan3A_34  : i32 {
        %mul3A_37 = arith.constant 16 : i32
        %mul3A_38 = arith.muli %scan3A_36, %mul3A_37 : i32
        %add3A_39 = arith.constant 0 : i32
        %add3A_40 = arith.addi %add3A_39, %mul3A_38 : i32
        %get3A = arith.index_cast %add3A_30 : i32 to index
        %get3A_41 = arith.index_cast %add3A_40 : i32 to index
        %get3A_42 = tpu.vector_load %arg4[%get3A, %get3A_41] {strides = array<i32>} : memref<250x80xi32, #tpu.memory_space<vmem>>, vector<1x16xi32>,
        %get3A_43 = vector.shape_cast %get3A_42 : vector<1x16xi32> to vector<16xi32>
        %sub3A = vector.broadcast %mul3A_0 : i32 to vector<16xi32>
        %sub3A_44 = arith.subi %get3A_43, %sub3A : vector<16xi32>
        %ge3A = arith.constant 0 : i32
        %ge3A_45 = vector.broadcast %ge3A : i32 to vector<16xi32>
        %ge3A_46 = arith.cmpi sge, %sub3A_44, %ge3A_45 : vector<16xi32>
        %lt3A = arith.constant 5120 : i32
        %lt3A_47 = vector.broadcast %lt3A : i32 to vector<16xi32>
        %lt3A_48 = arith.cmpi slt, %sub3A_44, %lt3A_47 : vector<16xi32>
        %and3A = arith.andi %ge3A_46, %lt3A_48 : vector<16xi1>
        %jit3A = arith.constant 5120 : i32
        %broadcast_in_dim3A = vector.broadcast %jit3A : i32 to vector<16xi32>
        %select_n3A = arith.select %and3A, %sub3A_44, %broadcast_in_dim3A : vector<16xi1>, vector<16xi32>
        %swap3A = arith.index_cast %add3A_30 : i32 to index
        %swap3A_49 = arith.index_cast %add3A_40 : i32 to index
        %swap3A_50 = tpu.vector_load %arg4[%swap3A, %swap3A_49] {strides = array<i32>} : memref<250x80xi32, #tpu.memory_space<vmem>>, vector<1x16xi32>,
        %swap3A_51 = vector.shape_cast %swap3A_50 : vector<1x16xi32> to vector<16xi32>
        %swap3A_52 = vector.shape_cast %select_n3A : vector<16xi32> to vector<1x16xi32>
        tpu.vector_store %arg4[%swap3A, %swap3A_49], %swap3A_52 {strides = array<i32>} : memref<250x80xi32, #tpu.memory_space<vmem>>, vector<1x16xi32>,
      }
      %scan3A_35 = arith.constant 5 : i32
    }
    %scan3A_16 = arith.constant 250 : i32
    %barrier3A = arith.constant 0 : index
    tpu.barrier barrier_id(%barrier3A)
    %scan3A_17 = arith.constant 0 : i32
    %scan3A_18 = arith.constant 250 : i32
    %scan3A_19 = arith.addi %scan3A_17, %scan3A_18 : i32
    %scan3A_20 = arith.constant 1 : i32
    scf.for %scan3A_27 = %scan3A_17 to %scan3A_19 step %scan3A_20  : i32 {
      %mul3A_28 = arith.constant 1 : i32
      %mul3A_29 = arith.muli %scan3A_27, %mul3A_28 : i32
      %add3A = arith.constant 0 : i32
      %add3A_30 = arith.addi %add3A, %mul3A_29 : i32
      "tpu.region"() ({
        %run_scoped3A = tpu.sem_alloc : memref<!tpu.dma_semaphore, #tpu.memory_space<semaphore_mem>>
        %dma_start3A = arith.constant 0 : i32
        %dma_start3A_31 = arith.constant 0 : i32
        %dma_start3A_32 = tpu.memref_slice %arg5[%dma_start3A, %dma_start3A_31] : memref<324x16xf32, #tpu.memory_space<vmem>> -> memref<80x16xf32, #tpu.memory_space<vmem>>
        %dma_start3A_33 = arith.constant 0 : i32
        %dma_start3A_34 = tpu.memref_slice %arg4[%add3A_30, %dma_start3A_33] : memref<250x80xi32, #tpu.memory_space<vmem>> -> memref<1x80xi32, #tpu.memory_space<vmem>>
        %dma_start3A_35 = tpu.memref_squeeze %dma_start3A_34 : memref<1x80xi32, #tpu.memory_space<vmem>> -> memref<80xi32, #tpu.memory_space<vmem>>
        %dma_start3A_36 = arith.constant 0 : i32
        %dma_start3A_37 = arith.constant 0 : i32
        %dma_start3A_38 = tpu.memref_slice %arg6[%dma_start3A_36, %dma_start3A_37] : memref<5184x16xf32, #tpu.memory_space<vmem_shared>> -> memref<5184x16xf32, #tpu.memory_space<vmem_shared>>
        tpu.enqueue_indirect_dma source(%dma_start3A_32 : memref<80x16xf32, #tpu.memory_space<vmem>>) target(%dma_start3A_38 : memref<5184x16xf32, #tpu.memory_space<vmem_shared>>) offsets(%dma_start3A_35 : memref<80xi32, #tpu.memory_space<vmem>>) semaphore(%run_scoped3A : memref<!tpu.dma_semaphore, #tpu.memory_space<semaphore_mem>>) {add = true}
        %dma_wait3A = arith.constant 0 : i32
        %dma_wait3A_39 = arith.constant 0 : i32
        %dma_wait3A_40 = tpu.memref_slice %arg5[%dma_wait3A, %dma_wait3A_39] : memref<324x16xf32, #tpu.memory_space<vmem>> -> memref<80x16xf32, #tpu.memory_space<vmem>>
        %dma_wait3A_41 = arith.constant 0 : i32
        %dma_wait3A_42 = tpu.memref_slice %arg4[%add3A_30, %dma_wait3A_41] : memref<250x80xi32, #tpu.memory_space<vmem>> -> memref<1x80xi32, #tpu.memory_space<vmem>>
        %dma_wait3A_43 = tpu.memref_squeeze %dma_wait3A_42 : memref<1x80xi32, #tpu.memory_space<vmem>> -> memref<80xi32, #tpu.memory_space<vmem>>
        %dma_wait3A_44 = arith.constant 0 : i32
        %dma_wait3A_45 = arith.constant 0 : i32
        %dma_wait3A_46 = tpu.memref_slice %arg6[%dma_wait3A_44, %dma_wait3A_45] : memref<5184x16xf32, #tpu.memory_space<vmem_shared>> -> memref<5184x16xf32, #tpu.memory_space<vmem_shared>>
        tpu.wait_indirect_dma semaphore(%run_scoped3A : memref<!tpu.dma_semaphore, #tpu.memory_space<semaphore_mem>>) src(%dma_wait3A_40 : memref<80x16xf32, #tpu.memory_space<vmem>>) dst(%dma_wait3A_46 : memref<5184x16xf32, #tpu.memory_space<vmem_shared>>)
        tpu.yield
      }) : () -> ()
    }
    %scan3A_21 = arith.constant 250 : i32
    %barrier3A_22 = arith.constant 0 : index
    tpu.barrier barrier_id(%barrier3A_22)
    %mul3A_23 = arith.constant 320 : i32
    %mul3A_24 = arith.muli %arg1, %mul3A_23 : i32
    %mul3A_25 = arith.constant 320 : i32
    %mul3A_26 = arith.muli %arg1, %mul3A_25 : i32
    "tpu.region"() ({
      %run_scoped3A = tpu.sem_alloc : memref<!tpu.dma_semaphore, #tpu.memory_space<semaphore_mem>>
      %dma_start3A = arith.constant 0 : i32
      %dma_start3A_27 = tpu.memref_slice %arg3[%arg0, %mul3A_26, %dma_start3A] : memref<2x5120x16xf32, #tpu.memory_space<hbm>> -> memref<1x320x16xf32, #tpu.memory_space<hbm>>
      %dma_start3A_28 = tpu.memref_squeeze %dma_start3A_27 : memref<1x320x16xf32, #tpu.memory_space<hbm>> -> memref<320x16xf32, #tpu.memory_space<hbm>>
      %dma_start3A_29 = arith.constant 0 : i32
      %dma_start3A_30 = tpu.memref_slice %arg6[%mul3A_24, %dma_start3A_29] : memref<5184x16xf32, #tpu.memory_space<vmem_shared>> -> memref<320x16xf32, #tpu.memory_space<vmem_shared>>
      tpu.enqueue_dma source(%dma_start3A_30 : memref<320x16xf32, #tpu.memory_space<vmem_shared>>) target(%dma_start3A_28 : memref<320x16xf32, #tpu.memory_space<hbm>>) target_semaphore(%run_scoped3A : memref<!tpu.dma_semaphore, #tpu.memory_space<semaphore_mem>>)
      %dma_wait3A = arith.constant 0 : i32
      %dma_wait3A_31 = tpu.memref_slice %arg3[%arg0, %mul3A_26, %dma_wait3A] : memref<2x5120x16xf32, #tpu.memory_space<hbm>> -> memref<1x320x16xf32, #tpu.memory_space<hbm>>
      %dma_wait3A_32 = tpu.memref_squeeze %dma_wait3A_31 : memref<1x320x16xf32, #tpu.memory_space<hbm>> -> memref<320x16xf32, #tpu.memory_space<hbm>>
      %dma_wait3A_33 = arith.constant 0 : i32
      %dma_wait3A_34 = tpu.memref_slice %arg6[%mul3A_24, %dma_wait3A_33] : memref<5184x16xf32, #tpu.memory_space<vmem_shared>> -> memref<320x16xf32, #tpu.memory_space<vmem_shared>>
      tpu.wait_dma2 semaphore(%run_scoped3A : memref<!tpu.dma_semaphore, #tpu.memory_space<semaphore_mem>>) src(%dma_wait3A_34 : memref<320x16xf32, #tpu.memory_space<vmem_shared>>) dst(%dma_wait3A_32 : memref<320x16xf32, #tpu.memory_space<hbm>>)
      tpu.yield
    }) : () -> ()
    return
  }
}

#map = affine_map<(d0, d1) -> (0, 0)>
#map1 = affine_map<(d0, d1) -> (0, 0, 0)>
module attributes {stable_mosaic.version = 14 : i64} {
  func.func @_agg_body(%arg0: i32, %arg1: i32, %arg2: memref<10240x128xf32, #tpu.memory_space<hbm>>, %arg3: memref<16x250x80xi32, #tpu.memory_space<hbm>>, %arg4: memref<16x250x80xi32, #tpu.memory_space<hbm>>, %arg5: memref<2x5120x128xf32, #tpu.memory_space<hbm>>, %arg6: memref<250x80xi32, #tpu.memory_space<vmem>>, %arg7: memref<250x80xi32, #tpu.memory_space<vmem>>, %arg8: memref<80x128xf32, #tpu.memory_space<vmem>>, %arg9: memref<80x128xf32, #tpu.memory_space<vmem>>, %arg10: memref<5184x128xf32, #tpu.memory_space<vmem_shared>>, %arg11: memref<!tpu.dma_semaphore, #tpu.memory_space<semaphore_mem>>, %arg12: memref<!tpu.dma_semaphore, #tpu.memory_space<semaphore_mem>>) attributes {dimension_semantics = [#tpu.dimension_semantics<core_parallel>, #tpu.dimension_semantics<subcore_parallel>], iteration_bounds = array<i64: 2, 16>, scalar_prefetch = 0 : i64, scratch_operands = 7 : i64, tpu.core_type = #tpu.core_type<sc_vector_subcore>, window_params = [{transform_indices = #map}, {transform_indices = #map1}, {transform_indices = #map1}, {transform_indices = #map1}]} {
    %mul3A = arith.constant 5120 : i32
    %mul3A_0 = arith.muli %arg0, %mul3A : i32
    %scan3A = arith.constant 0 : i32
    %scan3A_1 = arith.constant 80 : i32
    %scan3A_2 = arith.addi %scan3A, %scan3A_1 : i32
    %scan3A_3 = arith.constant 1 : i32
    scf.for %scan3A_31 = %scan3A to %scan3A_2 step %scan3A_3  : i32 {
      %mul3A_32 = arith.constant 1 : i32
      %mul3A_33 = arith.muli %scan3A_31, %mul3A_32 : i32
      %add3A = arith.constant 0 : i32
      %add3A_34 = arith.addi %add3A, %mul3A_33 : i32
      %scan3A_35 = arith.constant 0 : i32
      %scan3A_36 = arith.constant 8 : i32
      %scan3A_37 = arith.addi %scan3A_35, %scan3A_36 : i32
      %scan3A_38 = arith.constant 1 : i32
      scf.for %scan3A_40 = %scan3A_35 to %scan3A_37 step %scan3A_38  : i32 {
        %mul3A_41 = arith.constant 16 : i32
        %mul3A_42 = arith.muli %scan3A_40, %mul3A_41 : i32
        %add3A_43 = arith.constant 0 : i32
        %add3A_44 = arith.addi %add3A_43, %mul3A_42 : i32
        %broadcast_in_dim3A = arith.constant 0.000000e+00 : f32
        %broadcast_in_dim3A_45 = vector.broadcast %broadcast_in_dim3A : f32 to vector<16xf32>
        %swap3A = arith.index_cast %add3A_34 : i32 to index
        %swap3A_46 = arith.index_cast %add3A_44 : i32 to index
        %swap3A_47 = tpu.vector_load %arg8[%swap3A, %swap3A_46] {strides = array<i32>} : memref<80x128xf32, #tpu.memory_space<vmem>>, vector<1x16xf32>,
        %swap3A_48 = vector.shape_cast %swap3A_47 : vector<1x16xf32> to vector<16xf32>
        %swap3A_49 = vector.shape_cast %broadcast_in_dim3A_45 : vector<16xf32> to vector<1x16xf32>
        tpu.vector_store %arg8[%swap3A, %swap3A_46], %swap3A_49 {strides = array<i32>} : memref<80x128xf32, #tpu.memory_space<vmem>>, vector<1x16xf32>,
      }
      %scan3A_39 = arith.constant 8 : i32
    }
    %scan3A_4 = arith.constant 80 : i32
    %scan3A_5 = arith.constant 0 : i32
    %scan3A_6 = arith.constant 9 : i32
    %scan3A_7 = arith.addi %scan3A_5, %scan3A_6 : i32
    %scan3A_8 = arith.constant 1 : i32
    scf.for %scan3A_31 = %scan3A_5 to %scan3A_7 step %scan3A_8  : i32 {
      %mul3A_32 = arith.constant 1 : i32
      %mul3A_33 = arith.muli %scan3A_31, %mul3A_32 : i32
      %add3A = arith.constant 0 : i32
      %add3A_34 = arith.addi %add3A, %mul3A_33 : i32
      %mul3A_35 = arith.constant 324 : i32
      %mul3A_36 = arith.muli %arg1, %mul3A_35 : i32
      %mul3A_37 = arith.constant 36 : i32
      %mul3A_38 = arith.muli %add3A_34, %mul3A_37 : i32
      %add3A_39 = arith.addi %mul3A_36, %mul3A_38 : i32
      "tpu.region"() ({
        %run_scoped3A = tpu.sem_alloc : memref<!tpu.dma_semaphore, #tpu.memory_space<semaphore_mem>>
        %dma_start3A_40 = arith.constant 0 : i32
        %dma_start3A_41 = arith.constant 0 : i32
        %dma_start3A_42 = tpu.memref_slice %arg8[%dma_start3A_40, %dma_start3A_41] : memref<80x128xf32, #tpu.memory_space<vmem>> -> memref<36x128xf32, #tpu.memory_space<vmem>>
        %dma_start3A_43 = arith.constant 0 : i32
        %dma_start3A_44 = tpu.memref_slice %arg10[%add3A_39, %dma_start3A_43] : memref<5184x128xf32, #tpu.memory_space<vmem_shared>> -> memref<36x128xf32, #tpu.memory_space<vmem_shared>>
        %dma_start3A_45 = arith.constant 0 : i32
        %dma_start3A_46 = tpu.memref_slice %arg10[%add3A_39, %dma_start3A_45] : memref<5184x128xf32, #tpu.memory_space<vmem_shared>> -> memref<36x128xf32, #tpu.memory_space<vmem_shared>>
        %dma_start3A_47 = arith.constant 0 : i32
        %dma_start3A_48 = arith.constant 0 : i32
        %dma_start3A_49 = tpu.memref_slice %arg8[%dma_start3A_47, %dma_start3A_48] : memref<80x128xf32, #tpu.memory_space<vmem>> -> memref<36x128xf32, #tpu.memory_space<vmem>>
        tpu.enqueue_dma source(%dma_start3A_49 : memref<36x128xf32, #tpu.memory_space<vmem>>) target(%dma_start3A_46 : memref<36x128xf32, #tpu.memory_space<vmem_shared>>) target_semaphore(%run_scoped3A : memref<!tpu.dma_semaphore, #tpu.memory_space<semaphore_mem>>)
        %dma_wait3A = arith.constant 0 : i32
        %dma_wait3A_50 = arith.constant 0 : i32
        %dma_wait3A_51 = tpu.memref_slice %arg8[%dma_wait3A, %dma_wait3A_50] : memref<80x128xf32, #tpu.memory_space<vmem>> -> memref<36x128xf32, #tpu.memory_space<vmem>>
        %dma_wait3A_52 = arith.constant 0 : i32
        %dma_wait3A_53 = tpu.memref_slice %arg10[%add3A_39, %dma_wait3A_52] : memref<5184x128xf32, #tpu.memory_space<vmem_shared>> -> memref<36x128xf32, #tpu.memory_space<vmem_shared>>
        %dma_wait3A_54 = arith.constant 0 : i32
        %dma_wait3A_55 = tpu.memref_slice %arg10[%add3A_39, %dma_wait3A_54] : memref<5184x128xf32, #tpu.memory_space<vmem_shared>> -> memref<36x128xf32, #tpu.memory_space<vmem_shared>>
        %dma_wait3A_56 = arith.constant 0 : i32
        %dma_wait3A_57 = arith.constant 0 : i32
        %dma_wait3A_58 = tpu.memref_slice %arg8[%dma_wait3A_56, %dma_wait3A_57] : memref<80x128xf32, #tpu.memory_space<vmem>> -> memref<36x128xf32, #tpu.memory_space<vmem>>
        tpu.wait_dma2 semaphore(%run_scoped3A : memref<!tpu.dma_semaphore, #tpu.memory_space<semaphore_mem>>) src(%dma_wait3A_58 : memref<36x128xf32, #tpu.memory_space<vmem>>) dst(%dma_wait3A_55 : memref<36x128xf32, #tpu.memory_space<vmem_shared>>)
        tpu.yield
      }) : () -> ()
    }
    %scan3A_9 = arith.constant 9 : i32
    "tpu.region"() ({
      %run_scoped3A = tpu.sem_alloc : memref<!tpu.dma_semaphore, #tpu.memory_space<semaphore_mem>>
      %dma_start3A_31 = arith.constant 0 : i32
      %dma_start3A_32 = arith.constant 0 : i32
      %dma_start3A_33 = tpu.memref_slice %arg3[%arg1, %dma_start3A_31, %dma_start3A_32] : memref<16x250x80xi32, #tpu.memory_space<hbm>> -> memref<1x250x80xi32, #tpu.memory_space<hbm>>
      %dma_start3A_34 = tpu.memref_squeeze %dma_start3A_33 : memref<1x250x80xi32, #tpu.memory_space<hbm>> -> memref<250x80xi32, #tpu.memory_space<hbm>>
      %dma_start3A_35 = arith.constant 0 : i32
      %dma_start3A_36 = arith.constant 0 : i32
      %dma_start3A_37 = tpu.memref_slice %arg3[%arg1, %dma_start3A_35, %dma_start3A_36] : memref<16x250x80xi32, #tpu.memory_space<hbm>> -> memref<1x250x80xi32, #tpu.memory_space<hbm>>
      %dma_start3A_38 = tpu.memref_squeeze %dma_start3A_37 : memref<1x250x80xi32, #tpu.memory_space<hbm>> -> memref<250x80xi32, #tpu.memory_space<hbm>>
      tpu.enqueue_dma source(%dma_start3A_38 : memref<250x80xi32, #tpu.memory_space<hbm>>) target(%arg6 : memref<250x80xi32, #tpu.memory_space<vmem>>) target_semaphore(%run_scoped3A : memref<!tpu.dma_semaphore, #tpu.memory_space<semaphore_mem>>)
      %dma_wait3A = arith.constant 0 : i32
      %dma_wait3A_39 = arith.constant 0 : i32
      %dma_wait3A_40 = tpu.memref_slice %arg3[%arg1, %dma_wait3A, %dma_wait3A_39] : memref<16x250x80xi32, #tpu.memory_space<hbm>> -> memref<1x250x80xi32, #tpu.memory_space<hbm>>
      %dma_wait3A_41 = tpu.memref_squeeze %dma_wait3A_40 : memref<1x250x80xi32, #tpu.memory_space<hbm>> -> memref<250x80xi32, #tpu.memory_space<hbm>>
      %dma_wait3A_42 = arith.constant 0 : i32
      %dma_wait3A_43 = arith.constant 0 : i32
      %dma_wait3A_44 = tpu.memref_slice %arg3[%arg1, %dma_wait3A_42, %dma_wait3A_43] : memref<16x250x80xi32, #tpu.memory_space<hbm>> -> memref<1x250x80xi32, #tpu.memory_space<hbm>>
      %dma_wait3A_45 = tpu.memref_squeeze %dma_wait3A_44 : memref<1x250x80xi32, #tpu.memory_space<hbm>> -> memref<250x80xi32, #tpu.memory_space<hbm>>
      tpu.wait_dma2 semaphore(%run_scoped3A : memref<!tpu.dma_semaphore, #tpu.memory_space<semaphore_mem>>) src(%dma_wait3A_45 : memref<250x80xi32, #tpu.memory_space<hbm>>) dst(%arg6 : memref<250x80xi32, #tpu.memory_space<vmem>>)
      tpu.yield
    }) : () -> ()
    "tpu.region"() ({
      %run_scoped3A = tpu.sem_alloc : memref<!tpu.dma_semaphore, #tpu.memory_space<semaphore_mem>>
      %dma_start3A_31 = arith.constant 0 : i32
      %dma_start3A_32 = arith.constant 0 : i32
      %dma_start3A_33 = tpu.memref_slice %arg4[%arg1, %dma_start3A_31, %dma_start3A_32] : memref<16x250x80xi32, #tpu.memory_space<hbm>> -> memref<1x250x80xi32, #tpu.memory_space<hbm>>
      %dma_start3A_34 = tpu.memref_squeeze %dma_start3A_33 : memref<1x250x80xi32, #tpu.memory_space<hbm>> -> memref<250x80xi32, #tpu.memory_space<hbm>>
      %dma_start3A_35 = arith.constant 0 : i32
      %dma_start3A_36 = arith.constant 0 : i32
      %dma_start3A_37 = tpu.memref_slice %arg4[%arg1, %dma_start3A_35, %dma_start3A_36] : memref<16x250x80xi32, #tpu.memory_space<hbm>> -> memref<1x250x80xi32, #tpu.memory_space<hbm>>
      %dma_start3A_38 = tpu.memref_squeeze %dma_start3A_37 : memref<1x250x80xi32, #tpu.memory_space<hbm>> -> memref<250x80xi32, #tpu.memory_space<hbm>>
      tpu.enqueue_dma source(%dma_start3A_38 : memref<250x80xi32, #tpu.memory_space<hbm>>) target(%arg7 : memref<250x80xi32, #tpu.memory_space<vmem>>) target_semaphore(%run_scoped3A : memref<!tpu.dma_semaphore, #tpu.memory_space<semaphore_mem>>)
      %dma_wait3A = arith.constant 0 : i32
      %dma_wait3A_39 = arith.constant 0 : i32
      %dma_wait3A_40 = tpu.memref_slice %arg4[%arg1, %dma_wait3A, %dma_wait3A_39] : memref<16x250x80xi32, #tpu.memory_space<hbm>> -> memref<1x250x80xi32, #tpu.memory_space<hbm>>
      %dma_wait3A_41 = tpu.memref_squeeze %dma_wait3A_40 : memref<1x250x80xi32, #tpu.memory_space<hbm>> -> memref<250x80xi32, #tpu.memory_space<hbm>>
      %dma_wait3A_42 = arith.constant 0 : i32
      %dma_wait3A_43 = arith.constant 0 : i32
      %dma_wait3A_44 = tpu.memref_slice %arg4[%arg1, %dma_wait3A_42, %dma_wait3A_43] : memref<16x250x80xi32, #tpu.memory_space<hbm>> -> memref<1x250x80xi32, #tpu.memory_space<hbm>>
      %dma_wait3A_45 = tpu.memref_squeeze %dma_wait3A_44 : memref<1x250x80xi32, #tpu.memory_space<hbm>> -> memref<250x80xi32, #tpu.memory_space<hbm>>
      tpu.wait_dma2 semaphore(%run_scoped3A : memref<!tpu.dma_semaphore, #tpu.memory_space<semaphore_mem>>) src(%dma_wait3A_45 : memref<250x80xi32, #tpu.memory_space<hbm>>) dst(%arg7 : memref<250x80xi32, #tpu.memory_space<vmem>>)
      tpu.yield
    }) : () -> ()
    %scan3A_10 = arith.constant 0 : i32
    %scan3A_11 = arith.constant 250 : i32
    %scan3A_12 = arith.addi %scan3A_10, %scan3A_11 : i32
    %scan3A_13 = arith.constant 1 : i32
    scf.for %scan3A_31 = %scan3A_10 to %scan3A_12 step %scan3A_13  : i32 {
      %mul3A_32 = arith.constant 1 : i32
      %mul3A_33 = arith.muli %scan3A_31, %mul3A_32 : i32
      %add3A = arith.constant 0 : i32
      %add3A_34 = arith.addi %add3A, %mul3A_33 : i32
      %scan3A_35 = arith.constant 0 : i32
      %scan3A_36 = arith.constant 5 : i32
      %scan3A_37 = arith.addi %scan3A_35, %scan3A_36 : i32
      %scan3A_38 = arith.constant 1 : i32
      scf.for %scan3A_40 = %scan3A_35 to %scan3A_37 step %scan3A_38  : i32 {
        %mul3A_41 = arith.constant 16 : i32
        %mul3A_42 = arith.muli %scan3A_40, %mul3A_41 : i32
        %add3A_43 = arith.constant 0 : i32
        %add3A_44 = arith.addi %add3A_43, %mul3A_42 : i32
        %get3A = arith.index_cast %add3A_34 : i32 to index
        %get3A_45 = arith.index_cast %add3A_44 : i32 to index
        %get3A_46 = tpu.vector_load %arg7[%get3A, %get3A_45] {strides = array<i32>} : memref<250x80xi32, #tpu.memory_space<vmem>>, vector<1x16xi32>,
        %get3A_47 = vector.shape_cast %get3A_46 : vector<1x16xi32> to vector<16xi32>
        %sub3A = vector.broadcast %mul3A_0 : i32 to vector<16xi32>
        %sub3A_48 = arith.subi %get3A_47, %sub3A : vector<16xi32>
        %ge3A = arith.constant 0 : i32
        %ge3A_49 = vector.broadcast %ge3A : i32 to vector<16xi32>
        %ge3A_50 = arith.cmpi sge, %sub3A_48, %ge3A_49 : vector<16xi32>
        %lt3A = arith.constant 5120 : i32
        %lt3A_51 = vector.broadcast %lt3A : i32 to vector<16xi32>
        %lt3A_52 = arith.cmpi slt, %sub3A_48, %lt3A_51 : vector<16xi32>
        %and3A = arith.andi %ge3A_50, %lt3A_52 : vector<16xi1>
        %jit3A = arith.constant 5120 : i32
        %broadcast_in_dim3A = vector.broadcast %jit3A : i32 to vector<16xi32>
        %select_n3A = arith.select %and3A, %sub3A_48, %broadcast_in_dim3A : vector<16xi1>, vector<16xi32>
        %swap3A = arith.index_cast %add3A_34 : i32 to index
        %swap3A_53 = arith.index_cast %add3A_44 : i32 to index
        %swap3A_54 = tpu.vector_load %arg7[%swap3A, %swap3A_53] {strides = array<i32>} : memref<250x80xi32, #tpu.memory_space<vmem>>, vector<1x16xi32>,
        %swap3A_55 = vector.shape_cast %swap3A_54 : vector<1x16xi32> to vector<16xi32>
        %swap3A_56 = vector.shape_cast %select_n3A : vector<16xi32> to vector<1x16xi32>
        tpu.vector_store %arg7[%swap3A, %swap3A_53], %swap3A_56 {strides = array<i32>} : memref<250x80xi32, #tpu.memory_space<vmem>>, vector<1x16xi32>,
      }
      %scan3A_39 = arith.constant 5 : i32
    }
    %scan3A_14 = arith.constant 250 : i32
    %barrier3A = arith.constant 0 : index
    tpu.barrier barrier_id(%barrier3A)
    %dma_start3A = arith.constant 0 : i32
    %dma_start3A_15 = arith.constant 0 : i32
    %dma_start3A_16 = tpu.memref_slice %arg6[%dma_start3A, %dma_start3A_15] : memref<250x80xi32, #tpu.memory_space<vmem>> -> memref<1x80xi32, #tpu.memory_space<vmem>>
    %dma_start3A_17 = tpu.memref_squeeze %dma_start3A_16 : memref<1x80xi32, #tpu.memory_space<vmem>> -> memref<80xi32, #tpu.memory_space<vmem>>
    %dma_start3A_18 = arith.constant 0 : i32
    %dma_start3A_19 = arith.constant 0 : i32
    %dma_start3A_20 = tpu.memref_slice %arg2[%dma_start3A_18, %dma_start3A_19] : memref<10240x128xf32, #tpu.memory_space<hbm>> -> memref<10240x128xf32, #tpu.memory_space<hbm>>
    tpu.enqueue_indirect_dma source(%dma_start3A_20 : memref<10240x128xf32, #tpu.memory_space<hbm>>) target(%arg8 : memref<80x128xf32, #tpu.memory_space<vmem>>) offsets(%dma_start3A_17 : memref<80xi32, #tpu.memory_space<vmem>>) semaphore(%arg11 : memref<!tpu.dma_semaphore, #tpu.memory_space<semaphore_mem>>)
    %scan3A_21 = arith.constant 0 : i32
    %scan3A_22 = arith.constant 125 : i32
    %scan3A_23 = arith.addi %scan3A_21, %scan3A_22 : i32
    %scan3A_24 = arith.constant 1 : i32
    scf.for %scan3A_31 = %scan3A_21 to %scan3A_23 step %scan3A_24  : i32 {
      %mul3A_32 = arith.constant 2 : i32
      %mul3A_33 = arith.muli %scan3A_31, %mul3A_32 : i32
      %add3A = arith.constant 0 : i32
      %add3A_34 = arith.addi %add3A, %mul3A_33 : i32
      %add3A_35 = arith.constant 1 : i32
      %add3A_36 = arith.addi %add3A_34, %add3A_35 : i32
      %dma_start3A_37 = arith.constant 0 : i32
      %dma_start3A_38 = tpu.memref_slice %arg6[%add3A_36, %dma_start3A_37] : memref<250x80xi32, #tpu.memory_space<vmem>> -> memref<1x80xi32, #tpu.memory_space<vmem>>
      %dma_start3A_39 = tpu.memref_squeeze %dma_start3A_38 : memref<1x80xi32, #tpu.memory_space<vmem>> -> memref<80xi32, #tpu.memory_space<vmem>>
      %dma_start3A_40 = arith.constant 0 : i32
      %dma_start3A_41 = arith.constant 0 : i32
      %dma_start3A_42 = tpu.memref_slice %arg2[%dma_start3A_40, %dma_start3A_41] : memref<10240x128xf32, #tpu.memory_space<hbm>> -> memref<10240x128xf32, #tpu.memory_space<hbm>>
      tpu.enqueue_indirect_dma source(%dma_start3A_42 : memref<10240x128xf32, #tpu.memory_space<hbm>>) target(%arg9 : memref<80x128xf32, #tpu.memory_space<vmem>>) offsets(%dma_start3A_39 : memref<80xi32, #tpu.memory_space<vmem>>) semaphore(%arg12 : memref<!tpu.dma_semaphore, #tpu.memory_space<semaphore_mem>>)
      %dma_wait3A = arith.constant 0 : i32
      %dma_wait3A_43 = tpu.memref_slice %arg6[%add3A_34, %dma_wait3A] : memref<250x80xi32, #tpu.memory_space<vmem>> -> memref<1x80xi32, #tpu.memory_space<vmem>>
      %dma_wait3A_44 = tpu.memref_squeeze %dma_wait3A_43 : memref<1x80xi32, #tpu.memory_space<vmem>> -> memref<80xi32, #tpu.memory_space<vmem>>
      %dma_wait3A_45 = arith.constant 0 : i32
      %dma_wait3A_46 = arith.constant 0 : i32
      %dma_wait3A_47 = tpu.memref_slice %arg2[%dma_wait3A_45, %dma_wait3A_46] : memref<10240x128xf32, #tpu.memory_space<hbm>> -> memref<10240x128xf32, #tpu.memory_space<hbm>>
      tpu.wait_indirect_dma semaphore(%arg11 : memref<!tpu.dma_semaphore, #tpu.memory_space<semaphore_mem>>) src(%dma_wait3A_47 : memref<10240x128xf32, #tpu.memory_space<hbm>>) dst(%arg8 : memref<80x128xf32, #tpu.memory_space<vmem>>)
      "tpu.region"() ({
        %run_scoped3A = tpu.sem_alloc : memref<!tpu.dma_semaphore, #tpu.memory_space<semaphore_mem>>
        %dma_start3A_62 = arith.constant 0 : i32
        %dma_start3A_63 = tpu.memref_slice %arg7[%add3A_34, %dma_start3A_62] : memref<250x80xi32, #tpu.memory_space<vmem>> -> memref<1x80xi32, #tpu.memory_space<vmem>>
        %dma_start3A_64 = tpu.memref_squeeze %dma_start3A_63 : memref<1x80xi32, #tpu.memory_space<vmem>> -> memref<80xi32, #tpu.memory_space<vmem>>
        %dma_start3A_65 = arith.constant 0 : i32
        %dma_start3A_66 = arith.constant 0 : i32
        %dma_start3A_67 = tpu.memref_slice %arg10[%dma_start3A_65, %dma_start3A_66] : memref<5184x128xf32, #tpu.memory_space<vmem_shared>> -> memref<5184x128xf32, #tpu.memory_space<vmem_shared>>
        tpu.enqueue_indirect_dma source(%arg8 : memref<80x128xf32, #tpu.memory_space<vmem>>) target(%dma_start3A_67 : memref<5184x128xf32, #tpu.memory_space<vmem_shared>>) offsets(%dma_start3A_64 : memref<80xi32, #tpu.memory_space<vmem>>) semaphore(%run_scoped3A : memref<!tpu.dma_semaphore, #tpu.memory_space<semaphore_mem>>) {add = true}
        %dma_wait3A_68 = arith.constant 0 : i32
        %dma_wait3A_69 = tpu.memref_slice %arg7[%add3A_34, %dma_wait3A_68] : memref<250x80xi32, #tpu.memory_space<vmem>> -> memref<1x80xi32, #tpu.memory_space<vmem>>
        %dma_wait3A_70 = tpu.memref_squeeze %dma_wait3A_69 : memref<1x80xi32, #tpu.memory_space<vmem>> -> memref<80xi32, #tpu.memory_space<vmem>>
        %dma_wait3A_71 = arith.constant 0 : i32
        %dma_wait3A_72 = arith.constant 0 : i32
        %dma_wait3A_73 = tpu.memref_slice %arg10[%dma_wait3A_71, %dma_wait3A_72] : memref<5184x128xf32, #tpu.memory_space<vmem_shared>> -> memref<5184x128xf32, #tpu.memory_space<vmem_shared>>
        tpu.wait_indirect_dma semaphore(%run_scoped3A : memref<!tpu.dma_semaphore, #tpu.memory_space<semaphore_mem>>) src(%arg8 : memref<80x128xf32, #tpu.memory_space<vmem>>) dst(%dma_wait3A_73 : memref<5184x128xf32, #tpu.memory_space<vmem_shared>>)
        tpu.yield
      }) : () -> ()
      %add3A_48 = arith.constant 2 : i32
      %add3A_49 = arith.addi %add3A_34, %add3A_48 : i32
      %lt3A = arith.constant 250 : i32
      %lt3A_50 = arith.cmpi slt, %add3A_49, %lt3A : i32
      %convert_element_type3A = arith.extui %lt3A_50 : i1 to i32
      %cond3A = arith.constant 0 : i32
      %cond3A_51 = arith.cmpi ne, %convert_element_type3A, %cond3A : i32
      scf.if %cond3A_51 {
        %add3A_62 = arith.constant 2 : i32
        %add3A_63 = arith.addi %add3A_34, %add3A_62 : i32
        %dma_start3A_64 = arith.constant 0 : i32
        %dma_start3A_65 = tpu.memref_slice %arg6[%add3A_63, %dma_start3A_64] : memref<250x80xi32, #tpu.memory_space<vmem>> -> memref<1x80xi32, #tpu.memory_space<vmem>>
        %dma_start3A_66 = tpu.memref_squeeze %dma_start3A_65 : memref<1x80xi32, #tpu.memory_space<vmem>> -> memref<80xi32, #tpu.memory_space<vmem>>
        %dma_start3A_67 = arith.constant 0 : i32
        %dma_start3A_68 = arith.constant 0 : i32
        %dma_start3A_69 = tpu.memref_slice %arg2[%dma_start3A_67, %dma_start3A_68] : memref<10240x128xf32, #tpu.memory_space<hbm>> -> memref<10240x128xf32, #tpu.memory_space<hbm>>
        tpu.enqueue_indirect_dma source(%dma_start3A_69 : memref<10240x128xf32, #tpu.memory_space<hbm>>) target(%arg8 : memref<80x128xf32, #tpu.memory_space<vmem>>) offsets(%dma_start3A_66 : memref<80xi32, #tpu.memory_space<vmem>>) semaphore(%arg11 : memref<!tpu.dma_semaphore, #tpu.memory_space<semaphore_mem>>)
      } else {
      }
      %add3A_52 = arith.constant 1 : i32
      %add3A_53 = arith.addi %add3A_34, %add3A_52 : i32
      %dma_wait3A_54 = arith.constant 0 : i32
      %dma_wait3A_55 = tpu.memref_slice %arg6[%add3A_53, %dma_wait3A_54] : memref<250x80xi32, #tpu.memory_space<vmem>> -> memref<1x80xi32, #tpu.memory_space<vmem>>
      %dma_wait3A_56 = tpu.memref_squeeze %dma_wait3A_55 : memref<1x80xi32, #tpu.memory_space<vmem>> -> memref<80xi32, #tpu.memory_space<vmem>>
      %dma_wait3A_57 = arith.constant 0 : i32
      %dma_wait3A_58 = arith.constant 0 : i32
      %dma_wait3A_59 = tpu.memref_slice %arg2[%dma_wait3A_57, %dma_wait3A_58] : memref<10240x128xf32, #tpu.memory_space<hbm>> -> memref<10240x128xf32, #tpu.memory_space<hbm>>
      tpu.wait_indirect_dma semaphore(%arg12 : memref<!tpu.dma_semaphore, #tpu.memory_space<semaphore_mem>>) src(%dma_wait3A_59 : memref<10240x128xf32, #tpu.memory_space<hbm>>) dst(%arg9 : memref<80x128xf32, #tpu.memory_space<vmem>>)
      %add3A_60 = arith.constant 1 : i32
      %add3A_61 = arith.addi %add3A_34, %add3A_60 : i32
      "tpu.region"() ({
        %run_scoped3A = tpu.sem_alloc : memref<!tpu.dma_semaphore, #tpu.memory_space<semaphore_mem>>
        %dma_start3A_62 = arith.constant 0 : i32
        %dma_start3A_63 = tpu.memref_slice %arg7[%add3A_61, %dma_start3A_62] : memref<250x80xi32, #tpu.memory_space<vmem>> -> memref<1x80xi32, #tpu.memory_space<vmem>>
        %dma_start3A_64 = tpu.memref_squeeze %dma_start3A_63 : memref<1x80xi32, #tpu.memory_space<vmem>> -> memref<80xi32, #tpu.memory_space<vmem>>
        %dma_start3A_65 = arith.constant 0 : i32
        %dma_start3A_66 = arith.constant 0 : i32
        %dma_start3A_67 = tpu.memref_slice %arg10[%dma_start3A_65, %dma_start3A_66] : memref<5184x128xf32, #tpu.memory_space<vmem_shared>> -> memref<5184x128xf32, #tpu.memory_space<vmem_shared>>
        tpu.enqueue_indirect_dma source(%arg9 : memref<80x128xf32, #tpu.memory_space<vmem>>) target(%dma_start3A_67 : memref<5184x128xf32, #tpu.memory_space<vmem_shared>>) offsets(%dma_start3A_64 : memref<80xi32, #tpu.memory_space<vmem>>) semaphore(%run_scoped3A : memref<!tpu.dma_semaphore, #tpu.memory_space<semaphore_mem>>) {add = true}
        %dma_wait3A_68 = arith.constant 0 : i32
        %dma_wait3A_69 = tpu.memref_slice %arg7[%add3A_61, %dma_wait3A_68] : memref<250x80xi32, #tpu.memory_space<vmem>> -> memref<1x80xi32, #tpu.memory_space<vmem>>
        %dma_wait3A_70 = tpu.memref_squeeze %dma_wait3A_69 : memref<1x80xi32, #tpu.memory_space<vmem>> -> memref<80xi32, #tpu.memory_space<vmem>>
        %dma_wait3A_71 = arith.constant 0 : i32
        %dma_wait3A_72 = arith.constant 0 : i32
        %dma_wait3A_73 = tpu.memref_slice %arg10[%dma_wait3A_71, %dma_wait3A_72] : memref<5184x128xf32, #tpu.memory_space<vmem_shared>> -> memref<5184x128xf32, #tpu.memory_space<vmem_shared>>
        tpu.wait_indirect_dma semaphore(%run_scoped3A : memref<!tpu.dma_semaphore, #tpu.memory_space<semaphore_mem>>) src(%arg9 : memref<80x128xf32, #tpu.memory_space<vmem>>) dst(%dma_wait3A_73 : memref<5184x128xf32, #tpu.memory_space<vmem_shared>>)
        tpu.yield
      }) : () -> ()
    }
    %scan3A_25 = arith.constant 125 : i32
    %barrier3A_26 = arith.constant 0 : index
    tpu.barrier barrier_id(%barrier3A_26)
    %mul3A_27 = arith.constant 320 : i32
    %mul3A_28 = arith.muli %arg1, %mul3A_27 : i32
    %mul3A_29 = arith.constant 320 : i32
    %mul3A_30 = arith.muli %arg1, %mul3A_29 : i32
    "tpu.region"() ({
      %run_scoped3A = tpu.sem_alloc : memref<!tpu.dma_semaphore, #tpu.memory_space<semaphore_mem>>
      %dma_start3A_31 = arith.constant 0 : i32
      %dma_start3A_32 = tpu.memref_slice %arg5[%arg0, %mul3A_30, %dma_start3A_31] : memref<2x5120x128xf32, #tpu.memory_space<hbm>> -> memref<1x320x128xf32, #tpu.memory_space<hbm>>
      %dma_start3A_33 = tpu.memref_squeeze %dma_start3A_32 : memref<1x320x128xf32, #tpu.memory_space<hbm>> -> memref<320x128xf32, #tpu.memory_space<hbm>>
      %dma_start3A_34 = arith.constant 0 : i32
      %dma_start3A_35 = tpu.memref_slice %arg10[%mul3A_28, %dma_start3A_34] : memref<5184x128xf32, #tpu.memory_space<vmem_shared>> -> memref<320x128xf32, #tpu.memory_space<vmem_shared>>
      tpu.enqueue_dma source(%dma_start3A_35 : memref<320x128xf32, #tpu.memory_space<vmem_shared>>) target(%dma_start3A_33 : memref<320x128xf32, #tpu.memory_space<hbm>>) target_semaphore(%run_scoped3A : memref<!tpu.dma_semaphore, #tpu.memory_space<semaphore_mem>>)
      %dma_wait3A = arith.constant 0 : i32
      %dma_wait3A_36 = tpu.memref_slice %arg5[%arg0, %mul3A_30, %dma_wait3A] : memref<2x5120x128xf32, #tpu.memory_space<hbm>> -> memref<1x320x128xf32, #tpu.memory_space<hbm>>
      %dma_wait3A_37 = tpu.memref_squeeze %dma_wait3A_36 : memref<1x320x128xf32, #tpu.memory_space<hbm>> -> memref<320x128xf32, #tpu.memory_space<hbm>>
      %dma_wait3A_38 = arith.constant 0 : i32
      %dma_wait3A_39 = tpu.memref_slice %arg10[%mul3A_28, %dma_wait3A_38] : memref<5184x128xf32, #tpu.memory_space<vmem_shared>> -> memref<320x128xf32, #tpu.memory_space<vmem_shared>>
      tpu.wait_dma2 semaphore(%run_scoped3A : memref<!tpu.dma_semaphore, #tpu.memory_space<semaphore_mem>>) src(%dma_wait3A_39 : memref<320x128xf32, #tpu.memory_space<vmem_shared>>) dst(%dma_wait3A_37 : memref<320x128xf32, #tpu.memory_space<hbm>>)
      tpu.yield
    }) : () -> ()
    return
  }
}

#map = affine_map<(d0, d1) -> (0, 0)>
#map1 = affine_map<(d0, d1) -> (0, 0, 0)>
module attributes {stable_mosaic.version = 14 : i64} {
  func.func @_agg_body(%arg0: i32, %arg1: i32, %arg2: memref<10240x128xf32, #tpu.memory_space<hbm>>, %arg3: memref<16x250x80xi32, #tpu.memory_space<hbm>>, %arg4: memref<16x250x80xi32, #tpu.memory_space<hbm>>, %arg5: memref<2x5120x128xf32, #tpu.memory_space<hbm>>, %arg6: memref<250x80xi32, #tpu.memory_space<vmem>>, %arg7: memref<250x80xi32, #tpu.memory_space<vmem>>, %arg8: memref<80x128xf32, #tpu.memory_space<vmem>>, %arg9: memref<80x128xf32, #tpu.memory_space<vmem>>, %arg10: memref<5184x128xf32, #tpu.memory_space<vmem_shared>>, %arg11: memref<!tpu.dma_semaphore, #tpu.memory_space<semaphore_mem>>, %arg12: memref<!tpu.dma_semaphore, #tpu.memory_space<semaphore_mem>>) attributes {dimension_semantics = [#tpu.dimension_semantics<core_parallel>, #tpu.dimension_semantics<subcore_parallel>], iteration_bounds = array<i64: 2, 16>, scalar_prefetch = 0 : i64, scratch_operands = 7 : i64, tpu.core_type = #tpu.core_type<sc_vector_subcore>, window_params = [{transform_indices = #map}, {transform_indices = #map1}, {transform_indices = #map1}, {transform_indices = #map1}]} {
    %mul3A = arith.constant 5120 : i32
    %mul3A_0 = arith.muli %arg0, %mul3A : i32
    %scan3A = arith.constant 0 : i32
    %scan3A_1 = arith.constant 80 : i32
    %scan3A_2 = arith.addi %scan3A, %scan3A_1 : i32
    %scan3A_3 = arith.constant 1 : i32
    scf.for %scan3A_31 = %scan3A to %scan3A_2 step %scan3A_3  : i32 {
      %mul3A_32 = arith.constant 1 : i32
      %mul3A_33 = arith.muli %scan3A_31, %mul3A_32 : i32
      %add3A = arith.constant 0 : i32
      %add3A_34 = arith.addi %add3A, %mul3A_33 : i32
      %scan3A_35 = arith.constant 0 : i32
      %scan3A_36 = arith.constant 8 : i32
      %scan3A_37 = arith.addi %scan3A_35, %scan3A_36 : i32
      %scan3A_38 = arith.constant 1 : i32
      scf.for %scan3A_40 = %scan3A_35 to %scan3A_37 step %scan3A_38  : i32 {
        %mul3A_41 = arith.constant 16 : i32
        %mul3A_42 = arith.muli %scan3A_40, %mul3A_41 : i32
        %add3A_43 = arith.constant 0 : i32
        %add3A_44 = arith.addi %add3A_43, %mul3A_42 : i32
        %broadcast_in_dim3A = arith.constant 0.000000e+00 : f32
        %broadcast_in_dim3A_45 = vector.broadcast %broadcast_in_dim3A : f32 to vector<16xf32>
        %swap3A = arith.index_cast %add3A_34 : i32 to index
        %swap3A_46 = arith.index_cast %add3A_44 : i32 to index
        %swap3A_47 = tpu.vector_load %arg8[%swap3A, %swap3A_46] {strides = array<i32>} : memref<80x128xf32, #tpu.memory_space<vmem>>, vector<1x16xf32>,
        %swap3A_48 = vector.shape_cast %swap3A_47 : vector<1x16xf32> to vector<16xf32>
        %swap3A_49 = vector.shape_cast %broadcast_in_dim3A_45 : vector<16xf32> to vector<1x16xf32>
        tpu.vector_store %arg8[%swap3A, %swap3A_46], %swap3A_49 {strides = array<i32>} : memref<80x128xf32, #tpu.memory_space<vmem>>, vector<1x16xf32>,
      }
      %scan3A_39 = arith.constant 8 : i32
    }
    %scan3A_4 = arith.constant 80 : i32
    %scan3A_5 = arith.constant 0 : i32
    %scan3A_6 = arith.constant 9 : i32
    %scan3A_7 = arith.addi %scan3A_5, %scan3A_6 : i32
    %scan3A_8 = arith.constant 1 : i32
    scf.for %scan3A_31 = %scan3A_5 to %scan3A_7 step %scan3A_8  : i32 {
      %mul3A_32 = arith.constant 1 : i32
      %mul3A_33 = arith.muli %scan3A_31, %mul3A_32 : i32
      %add3A = arith.constant 0 : i32
      %add3A_34 = arith.addi %add3A, %mul3A_33 : i32
      %mul3A_35 = arith.constant 324 : i32
      %mul3A_36 = arith.muli %arg1, %mul3A_35 : i32
      %mul3A_37 = arith.constant 36 : i32
      %mul3A_38 = arith.muli %add3A_34, %mul3A_37 : i32
      %add3A_39 = arith.addi %mul3A_36, %mul3A_38 : i32
      "tpu.region"() ({
        %run_scoped3A = tpu.sem_alloc : memref<!tpu.dma_semaphore, #tpu.memory_space<semaphore_mem>>
        %dma_start3A_40 = arith.constant 0 : i32
        %dma_start3A_41 = arith.constant 0 : i32
        %dma_start3A_42 = tpu.memref_slice %arg8[%dma_start3A_40, %dma_start3A_41] : memref<80x128xf32, #tpu.memory_space<vmem>> -> memref<36x128xf32, #tpu.memory_space<vmem>>
        %dma_start3A_43 = arith.constant 0 : i32
        %dma_start3A_44 = tpu.memref_slice %arg10[%add3A_39, %dma_start3A_43] : memref<5184x128xf32, #tpu.memory_space<vmem_shared>> -> memref<36x128xf32, #tpu.memory_space<vmem_shared>>
        %dma_start3A_45 = arith.constant 0 : i32
        %dma_start3A_46 = tpu.memref_slice %arg10[%add3A_39, %dma_start3A_45] : memref<5184x128xf32, #tpu.memory_space<vmem_shared>> -> memref<36x128xf32, #tpu.memory_space<vmem_shared>>
        %dma_start3A_47 = arith.constant 0 : i32
        %dma_start3A_48 = arith.constant 0 : i32
        %dma_start3A_49 = tpu.memref_slice %arg8[%dma_start3A_47, %dma_start3A_48] : memref<80x128xf32, #tpu.memory_space<vmem>> -> memref<36x128xf32, #tpu.memory_space<vmem>>
        tpu.enqueue_dma source(%dma_start3A_49 : memref<36x128xf32, #tpu.memory_space<vmem>>) target(%dma_start3A_46 : memref<36x128xf32, #tpu.memory_space<vmem_shared>>) target_semaphore(%run_scoped3A : memref<!tpu.dma_semaphore, #tpu.memory_space<semaphore_mem>>)
        %dma_wait3A = arith.constant 0 : i32
        %dma_wait3A_50 = arith.constant 0 : i32
        %dma_wait3A_51 = tpu.memref_slice %arg8[%dma_wait3A, %dma_wait3A_50] : memref<80x128xf32, #tpu.memory_space<vmem>> -> memref<36x128xf32, #tpu.memory_space<vmem>>
        %dma_wait3A_52 = arith.constant 0 : i32
        %dma_wait3A_53 = tpu.memref_slice %arg10[%add3A_39, %dma_wait3A_52] : memref<5184x128xf32, #tpu.memory_space<vmem_shared>> -> memref<36x128xf32, #tpu.memory_space<vmem_shared>>
        %dma_wait3A_54 = arith.constant 0 : i32
        %dma_wait3A_55 = tpu.memref_slice %arg10[%add3A_39, %dma_wait3A_54] : memref<5184x128xf32, #tpu.memory_space<vmem_shared>> -> memref<36x128xf32, #tpu.memory_space<vmem_shared>>
        %dma_wait3A_56 = arith.constant 0 : i32
        %dma_wait3A_57 = arith.constant 0 : i32
        %dma_wait3A_58 = tpu.memref_slice %arg8[%dma_wait3A_56, %dma_wait3A_57] : memref<80x128xf32, #tpu.memory_space<vmem>> -> memref<36x128xf32, #tpu.memory_space<vmem>>
        tpu.wait_dma2 semaphore(%run_scoped3A : memref<!tpu.dma_semaphore, #tpu.memory_space<semaphore_mem>>) src(%dma_wait3A_58 : memref<36x128xf32, #tpu.memory_space<vmem>>) dst(%dma_wait3A_55 : memref<36x128xf32, #tpu.memory_space<vmem_shared>>)
        tpu.yield
      }) : () -> ()
    }
    %scan3A_9 = arith.constant 9 : i32
    "tpu.region"() ({
      %run_scoped3A = tpu.sem_alloc : memref<!tpu.dma_semaphore, #tpu.memory_space<semaphore_mem>>
      %dma_start3A_31 = arith.constant 0 : i32
      %dma_start3A_32 = arith.constant 0 : i32
      %dma_start3A_33 = tpu.memref_slice %arg3[%arg1, %dma_start3A_31, %dma_start3A_32] : memref<16x250x80xi32, #tpu.memory_space<hbm>> -> memref<1x250x80xi32, #tpu.memory_space<hbm>>
      %dma_start3A_34 = tpu.memref_squeeze %dma_start3A_33 : memref<1x250x80xi32, #tpu.memory_space<hbm>> -> memref<250x80xi32, #tpu.memory_space<hbm>>
      %dma_start3A_35 = arith.constant 0 : i32
      %dma_start3A_36 = arith.constant 0 : i32
      %dma_start3A_37 = tpu.memref_slice %arg3[%arg1, %dma_start3A_35, %dma_start3A_36] : memref<16x250x80xi32, #tpu.memory_space<hbm>> -> memref<1x250x80xi32, #tpu.memory_space<hbm>>
      %dma_start3A_38 = tpu.memref_squeeze %dma_start3A_37 : memref<1x250x80xi32, #tpu.memory_space<hbm>> -> memref<250x80xi32, #tpu.memory_space<hbm>>
      tpu.enqueue_dma source(%dma_start3A_38 : memref<250x80xi32, #tpu.memory_space<hbm>>) target(%arg6 : memref<250x80xi32, #tpu.memory_space<vmem>>) target_semaphore(%run_scoped3A : memref<!tpu.dma_semaphore, #tpu.memory_space<semaphore_mem>>)
      %dma_wait3A = arith.constant 0 : i32
      %dma_wait3A_39 = arith.constant 0 : i32
      %dma_wait3A_40 = tpu.memref_slice %arg3[%arg1, %dma_wait3A, %dma_wait3A_39] : memref<16x250x80xi32, #tpu.memory_space<hbm>> -> memref<1x250x80xi32, #tpu.memory_space<hbm>>
      %dma_wait3A_41 = tpu.memref_squeeze %dma_wait3A_40 : memref<1x250x80xi32, #tpu.memory_space<hbm>> -> memref<250x80xi32, #tpu.memory_space<hbm>>
      %dma_wait3A_42 = arith.constant 0 : i32
      %dma_wait3A_43 = arith.constant 0 : i32
      %dma_wait3A_44 = tpu.memref_slice %arg3[%arg1, %dma_wait3A_42, %dma_wait3A_43] : memref<16x250x80xi32, #tpu.memory_space<hbm>> -> memref<1x250x80xi32, #tpu.memory_space<hbm>>
      %dma_wait3A_45 = tpu.memref_squeeze %dma_wait3A_44 : memref<1x250x80xi32, #tpu.memory_space<hbm>> -> memref<250x80xi32, #tpu.memory_space<hbm>>
      tpu.wait_dma2 semaphore(%run_scoped3A : memref<!tpu.dma_semaphore, #tpu.memory_space<semaphore_mem>>) src(%dma_wait3A_45 : memref<250x80xi32, #tpu.memory_space<hbm>>) dst(%arg6 : memref<250x80xi32, #tpu.memory_space<vmem>>)
      tpu.yield
    }) : () -> ()
    "tpu.region"() ({
      %run_scoped3A = tpu.sem_alloc : memref<!tpu.dma_semaphore, #tpu.memory_space<semaphore_mem>>
      %dma_start3A_31 = arith.constant 0 : i32
      %dma_start3A_32 = arith.constant 0 : i32
      %dma_start3A_33 = tpu.memref_slice %arg4[%arg1, %dma_start3A_31, %dma_start3A_32] : memref<16x250x80xi32, #tpu.memory_space<hbm>> -> memref<1x250x80xi32, #tpu.memory_space<hbm>>
      %dma_start3A_34 = tpu.memref_squeeze %dma_start3A_33 : memref<1x250x80xi32, #tpu.memory_space<hbm>> -> memref<250x80xi32, #tpu.memory_space<hbm>>
      %dma_start3A_35 = arith.constant 0 : i32
      %dma_start3A_36 = arith.constant 0 : i32
      %dma_start3A_37 = tpu.memref_slice %arg4[%arg1, %dma_start3A_35, %dma_start3A_36] : memref<16x250x80xi32, #tpu.memory_space<hbm>> -> memref<1x250x80xi32, #tpu.memory_space<hbm>>
      %dma_start3A_38 = tpu.memref_squeeze %dma_start3A_37 : memref<1x250x80xi32, #tpu.memory_space<hbm>> -> memref<250x80xi32, #tpu.memory_space<hbm>>
      tpu.enqueue_dma source(%dma_start3A_38 : memref<250x80xi32, #tpu.memory_space<hbm>>) target(%arg7 : memref<250x80xi32, #tpu.memory_space<vmem>>) target_semaphore(%run_scoped3A : memref<!tpu.dma_semaphore, #tpu.memory_space<semaphore_mem>>)
      %dma_wait3A = arith.constant 0 : i32
      %dma_wait3A_39 = arith.constant 0 : i32
      %dma_wait3A_40 = tpu.memref_slice %arg4[%arg1, %dma_wait3A, %dma_wait3A_39] : memref<16x250x80xi32, #tpu.memory_space<hbm>> -> memref<1x250x80xi32, #tpu.memory_space<hbm>>
      %dma_wait3A_41 = tpu.memref_squeeze %dma_wait3A_40 : memref<1x250x80xi32, #tpu.memory_space<hbm>> -> memref<250x80xi32, #tpu.memory_space<hbm>>
      %dma_wait3A_42 = arith.constant 0 : i32
      %dma_wait3A_43 = arith.constant 0 : i32
      %dma_wait3A_44 = tpu.memref_slice %arg4[%arg1, %dma_wait3A_42, %dma_wait3A_43] : memref<16x250x80xi32, #tpu.memory_space<hbm>> -> memref<1x250x80xi32, #tpu.memory_space<hbm>>
      %dma_wait3A_45 = tpu.memref_squeeze %dma_wait3A_44 : memref<1x250x80xi32, #tpu.memory_space<hbm>> -> memref<250x80xi32, #tpu.memory_space<hbm>>
      tpu.wait_dma2 semaphore(%run_scoped3A : memref<!tpu.dma_semaphore, #tpu.memory_space<semaphore_mem>>) src(%dma_wait3A_45 : memref<250x80xi32, #tpu.memory_space<hbm>>) dst(%arg7 : memref<250x80xi32, #tpu.memory_space<vmem>>)
      tpu.yield
    }) : () -> ()
    %scan3A_10 = arith.constant 0 : i32
    %scan3A_11 = arith.constant 250 : i32
    %scan3A_12 = arith.addi %scan3A_10, %scan3A_11 : i32
    %scan3A_13 = arith.constant 1 : i32
    scf.for %scan3A_31 = %scan3A_10 to %scan3A_12 step %scan3A_13  : i32 {
      %mul3A_32 = arith.constant 1 : i32
      %mul3A_33 = arith.muli %scan3A_31, %mul3A_32 : i32
      %add3A = arith.constant 0 : i32
      %add3A_34 = arith.addi %add3A, %mul3A_33 : i32
      %scan3A_35 = arith.constant 0 : i32
      %scan3A_36 = arith.constant 5 : i32
      %scan3A_37 = arith.addi %scan3A_35, %scan3A_36 : i32
      %scan3A_38 = arith.constant 1 : i32
      scf.for %scan3A_40 = %scan3A_35 to %scan3A_37 step %scan3A_38  : i32 {
        %mul3A_41 = arith.constant 16 : i32
        %mul3A_42 = arith.muli %scan3A_40, %mul3A_41 : i32
        %add3A_43 = arith.constant 0 : i32
        %add3A_44 = arith.addi %add3A_43, %mul3A_42 : i32
        %get3A = arith.index_cast %add3A_34 : i32 to index
        %get3A_45 = arith.index_cast %add3A_44 : i32 to index
        %get3A_46 = tpu.vector_load %arg7[%get3A, %get3A_45] {strides = array<i32>} : memref<250x80xi32, #tpu.memory_space<vmem>>, vector<1x16xi32>,
        %get3A_47 = vector.shape_cast %get3A_46 : vector<1x16xi32> to vector<16xi32>
        %sub3A = vector.broadcast %mul3A_0 : i32 to vector<16xi32>
        %sub3A_48 = arith.subi %get3A_47, %sub3A : vector<16xi32>
        %ge3A = arith.constant 0 : i32
        %ge3A_49 = vector.broadcast %ge3A : i32 to vector<16xi32>
        %ge3A_50 = arith.cmpi sge, %sub3A_48, %ge3A_49 : vector<16xi32>
        %lt3A = arith.constant 5120 : i32
        %lt3A_51 = vector.broadcast %lt3A : i32 to vector<16xi32>
        %lt3A_52 = arith.cmpi slt, %sub3A_48, %lt3A_51 : vector<16xi32>
        %and3A = arith.andi %ge3A_50, %lt3A_52 : vector<16xi1>
        %jit3A = arith.constant 5120 : i32
        %broadcast_in_dim3A = vector.broadcast %jit3A : i32 to vector<16xi32>
        %select_n3A = arith.select %and3A, %sub3A_48, %broadcast_in_dim3A : vector<16xi1>, vector<16xi32>
        %swap3A = arith.index_cast %add3A_34 : i32 to index
        %swap3A_53 = arith.index_cast %add3A_44 : i32 to index
        %swap3A_54 = tpu.vector_load %arg7[%swap3A, %swap3A_53] {strides = array<i32>} : memref<250x80xi32, #tpu.memory_space<vmem>>, vector<1x16xi32>,
        %swap3A_55 = vector.shape_cast %swap3A_54 : vector<1x16xi32> to vector<16xi32>
        %swap3A_56 = vector.shape_cast %select_n3A : vector<16xi32> to vector<1x16xi32>
        tpu.vector_store %arg7[%swap3A, %swap3A_53], %swap3A_56 {strides = array<i32>} : memref<250x80xi32, #tpu.memory_space<vmem>>, vector<1x16xi32>,
      }
      %scan3A_39 = arith.constant 5 : i32
    }
    %scan3A_14 = arith.constant 250 : i32
    %barrier3A = arith.constant 0 : index
    tpu.barrier barrier_id(%barrier3A)
    %dma_start3A = arith.constant 0 : i32
    %dma_start3A_15 = arith.constant 0 : i32
    %dma_start3A_16 = tpu.memref_slice %arg6[%dma_start3A, %dma_start3A_15] : memref<250x80xi32, #tpu.memory_space<vmem>> -> memref<1x80xi32, #tpu.memory_space<vmem>>
    %dma_start3A_17 = tpu.memref_squeeze %dma_start3A_16 : memref<1x80xi32, #tpu.memory_space<vmem>> -> memref<80xi32, #tpu.memory_space<vmem>>
    %dma_start3A_18 = arith.constant 0 : i32
    %dma_start3A_19 = arith.constant 0 : i32
    %dma_start3A_20 = tpu.memref_slice %arg2[%dma_start3A_18, %dma_start3A_19] : memref<10240x128xf32, #tpu.memory_space<hbm>> -> memref<10240x128xf32, #tpu.memory_space<hbm>>
    tpu.enqueue_indirect_dma source(%dma_start3A_20 : memref<10240x128xf32, #tpu.memory_space<hbm>>) target(%arg8 : memref<80x128xf32, #tpu.memory_space<vmem>>) offsets(%dma_start3A_17 : memref<80xi32, #tpu.memory_space<vmem>>) semaphore(%arg11 : memref<!tpu.dma_semaphore, #tpu.memory_space<semaphore_mem>>)
    %scan3A_21 = arith.constant 0 : i32
    %scan3A_22 = arith.constant 125 : i32
    %scan3A_23 = arith.addi %scan3A_21, %scan3A_22 : i32
    %scan3A_24 = arith.constant 1 : i32
    scf.for %scan3A_31 = %scan3A_21 to %scan3A_23 step %scan3A_24  : i32 {
      %mul3A_32 = arith.constant 2 : i32
      %mul3A_33 = arith.muli %scan3A_31, %mul3A_32 : i32
      %add3A = arith.constant 0 : i32
      %add3A_34 = arith.addi %add3A, %mul3A_33 : i32
      %add3A_35 = arith.constant 1 : i32
      %add3A_36 = arith.addi %add3A_34, %add3A_35 : i32
      %dma_start3A_37 = arith.constant 0 : i32
      %dma_start3A_38 = tpu.memref_slice %arg6[%add3A_36, %dma_start3A_37] : memref<250x80xi32, #tpu.memory_space<vmem>> -> memref<1x80xi32, #tpu.memory_space<vmem>>
      %dma_start3A_39 = tpu.memref_squeeze %dma_start3A_38 : memref<1x80xi32, #tpu.memory_space<vmem>> -> memref<80xi32, #tpu.memory_space<vmem>>
      %dma_start3A_40 = arith.constant 0 : i32
      %dma_start3A_41 = arith.constant 0 : i32
      %dma_start3A_42 = tpu.memref_slice %arg2[%dma_start3A_40, %dma_start3A_41] : memref<10240x128xf32, #tpu.memory_space<hbm>> -> memref<10240x128xf32, #tpu.memory_space<hbm>>
      tpu.enqueue_indirect_dma source(%dma_start3A_42 : memref<10240x128xf32, #tpu.memory_space<hbm>>) target(%arg9 : memref<80x128xf32, #tpu.memory_space<vmem>>) offsets(%dma_start3A_39 : memref<80xi32, #tpu.memory_space<vmem>>) semaphore(%arg12 : memref<!tpu.dma_semaphore, #tpu.memory_space<semaphore_mem>>)
      %dma_wait3A = arith.constant 0 : i32
      %dma_wait3A_43 = tpu.memref_slice %arg6[%add3A_34, %dma_wait3A] : memref<250x80xi32, #tpu.memory_space<vmem>> -> memref<1x80xi32, #tpu.memory_space<vmem>>
      %dma_wait3A_44 = tpu.memref_squeeze %dma_wait3A_43 : memref<1x80xi32, #tpu.memory_space<vmem>> -> memref<80xi32, #tpu.memory_space<vmem>>
      %dma_wait3A_45 = arith.constant 0 : i32
      %dma_wait3A_46 = arith.constant 0 : i32
      %dma_wait3A_47 = tpu.memref_slice %arg2[%dma_wait3A_45, %dma_wait3A_46] : memref<10240x128xf32, #tpu.memory_space<hbm>> -> memref<10240x128xf32, #tpu.memory_space<hbm>>
      tpu.wait_indirect_dma semaphore(%arg11 : memref<!tpu.dma_semaphore, #tpu.memory_space<semaphore_mem>>) src(%dma_wait3A_47 : memref<10240x128xf32, #tpu.memory_space<hbm>>) dst(%arg8 : memref<80x128xf32, #tpu.memory_space<vmem>>)
      "tpu.region"() ({
        %run_scoped3A = tpu.sem_alloc : memref<!tpu.dma_semaphore, #tpu.memory_space<semaphore_mem>>
        %dma_start3A_62 = arith.constant 0 : i32
        %dma_start3A_63 = tpu.memref_slice %arg7[%add3A_34, %dma_start3A_62] : memref<250x80xi32, #tpu.memory_space<vmem>> -> memref<1x80xi32, #tpu.memory_space<vmem>>
        %dma_start3A_64 = tpu.memref_squeeze %dma_start3A_63 : memref<1x80xi32, #tpu.memory_space<vmem>> -> memref<80xi32, #tpu.memory_space<vmem>>
        %dma_start3A_65 = arith.constant 0 : i32
        %dma_start3A_66 = arith.constant 0 : i32
        %dma_start3A_67 = tpu.memref_slice %arg10[%dma_start3A_65, %dma_start3A_66] : memref<5184x128xf32, #tpu.memory_space<vmem_shared>> -> memref<5184x128xf32, #tpu.memory_space<vmem_shared>>
        tpu.enqueue_indirect_dma source(%arg8 : memref<80x128xf32, #tpu.memory_space<vmem>>) target(%dma_start3A_67 : memref<5184x128xf32, #tpu.memory_space<vmem_shared>>) offsets(%dma_start3A_64 : memref<80xi32, #tpu.memory_space<vmem>>) semaphore(%run_scoped3A : memref<!tpu.dma_semaphore, #tpu.memory_space<semaphore_mem>>) {add = true}
        %dma_wait3A_68 = arith.constant 0 : i32
        %dma_wait3A_69 = tpu.memref_slice %arg7[%add3A_34, %dma_wait3A_68] : memref<250x80xi32, #tpu.memory_space<vmem>> -> memref<1x80xi32, #tpu.memory_space<vmem>>
        %dma_wait3A_70 = tpu.memref_squeeze %dma_wait3A_69 : memref<1x80xi32, #tpu.memory_space<vmem>> -> memref<80xi32, #tpu.memory_space<vmem>>
        %dma_wait3A_71 = arith.constant 0 : i32
        %dma_wait3A_72 = arith.constant 0 : i32
        %dma_wait3A_73 = tpu.memref_slice %arg10[%dma_wait3A_71, %dma_wait3A_72] : memref<5184x128xf32, #tpu.memory_space<vmem_shared>> -> memref<5184x128xf32, #tpu.memory_space<vmem_shared>>
        tpu.wait_indirect_dma semaphore(%run_scoped3A : memref<!tpu.dma_semaphore, #tpu.memory_space<semaphore_mem>>) src(%arg8 : memref<80x128xf32, #tpu.memory_space<vmem>>) dst(%dma_wait3A_73 : memref<5184x128xf32, #tpu.memory_space<vmem_shared>>)
        tpu.yield
      }) : () -> ()
      %add3A_48 = arith.constant 2 : i32
      %add3A_49 = arith.addi %add3A_34, %add3A_48 : i32
      %lt3A = arith.constant 250 : i32
      %lt3A_50 = arith.cmpi slt, %add3A_49, %lt3A : i32
      %convert_element_type3A = arith.extui %lt3A_50 : i1 to i32
      %cond3A = arith.constant 0 : i32
      %cond3A_51 = arith.cmpi ne, %convert_element_type3A, %cond3A : i32
      scf.if %cond3A_51 {
        %add3A_62 = arith.constant 2 : i32
        %add3A_63 = arith.addi %add3A_34, %add3A_62 : i32
        %dma_start3A_64 = arith.constant 0 : i32
        %dma_start3A_65 = tpu.memref_slice %arg6[%add3A_63, %dma_start3A_64] : memref<250x80xi32, #tpu.memory_space<vmem>> -> memref<1x80xi32, #tpu.memory_space<vmem>>
        %dma_start3A_66 = tpu.memref_squeeze %dma_start3A_65 : memref<1x80xi32, #tpu.memory_space<vmem>> -> memref<80xi32, #tpu.memory_space<vmem>>
        %dma_start3A_67 = arith.constant 0 : i32
        %dma_start3A_68 = arith.constant 0 : i32
        %dma_start3A_69 = tpu.memref_slice %arg2[%dma_start3A_67, %dma_start3A_68] : memref<10240x128xf32, #tpu.memory_space<hbm>> -> memref<10240x128xf32, #tpu.memory_space<hbm>>
        tpu.enqueue_indirect_dma source(%dma_start3A_69 : memref<10240x128xf32, #tpu.memory_space<hbm>>) target(%arg8 : memref<80x128xf32, #tpu.memory_space<vmem>>) offsets(%dma_start3A_66 : memref<80xi32, #tpu.memory_space<vmem>>) semaphore(%arg11 : memref<!tpu.dma_semaphore, #tpu.memory_space<semaphore_mem>>)
      } else {
      }
      %add3A_52 = arith.constant 1 : i32
      %add3A_53 = arith.addi %add3A_34, %add3A_52 : i32
      %dma_wait3A_54 = arith.constant 0 : i32
      %dma_wait3A_55 = tpu.memref_slice %arg6[%add3A_53, %dma_wait3A_54] : memref<250x80xi32, #tpu.memory_space<vmem>> -> memref<1x80xi32, #tpu.memory_space<vmem>>
      %dma_wait3A_56 = tpu.memref_squeeze %dma_wait3A_55 : memref<1x80xi32, #tpu.memory_space<vmem>> -> memref<80xi32, #tpu.memory_space<vmem>>
      %dma_wait3A_57 = arith.constant 0 : i32
      %dma_wait3A_58 = arith.constant 0 : i32
      %dma_wait3A_59 = tpu.memref_slice %arg2[%dma_wait3A_57, %dma_wait3A_58] : memref<10240x128xf32, #tpu.memory_space<hbm>> -> memref<10240x128xf32, #tpu.memory_space<hbm>>
      tpu.wait_indirect_dma semaphore(%arg12 : memref<!tpu.dma_semaphore, #tpu.memory_space<semaphore_mem>>) src(%dma_wait3A_59 : memref<10240x128xf32, #tpu.memory_space<hbm>>) dst(%arg9 : memref<80x128xf32, #tpu.memory_space<vmem>>)
      %add3A_60 = arith.constant 1 : i32
      %add3A_61 = arith.addi %add3A_34, %add3A_60 : i32
      "tpu.region"() ({
        %run_scoped3A = tpu.sem_alloc : memref<!tpu.dma_semaphore, #tpu.memory_space<semaphore_mem>>
        %dma_start3A_62 = arith.constant 0 : i32
        %dma_start3A_63 = tpu.memref_slice %arg7[%add3A_61, %dma_start3A_62] : memref<250x80xi32, #tpu.memory_space<vmem>> -> memref<1x80xi32, #tpu.memory_space<vmem>>
        %dma_start3A_64 = tpu.memref_squeeze %dma_start3A_63 : memref<1x80xi32, #tpu.memory_space<vmem>> -> memref<80xi32, #tpu.memory_space<vmem>>
        %dma_start3A_65 = arith.constant 0 : i32
        %dma_start3A_66 = arith.constant 0 : i32
        %dma_start3A_67 = tpu.memref_slice %arg10[%dma_start3A_65, %dma_start3A_66] : memref<5184x128xf32, #tpu.memory_space<vmem_shared>> -> memref<5184x128xf32, #tpu.memory_space<vmem_shared>>
        tpu.enqueue_indirect_dma source(%arg9 : memref<80x128xf32, #tpu.memory_space<vmem>>) target(%dma_start3A_67 : memref<5184x128xf32, #tpu.memory_space<vmem_shared>>) offsets(%dma_start3A_64 : memref<80xi32, #tpu.memory_space<vmem>>) semaphore(%run_scoped3A : memref<!tpu.dma_semaphore, #tpu.memory_space<semaphore_mem>>) {add = true}
        %dma_wait3A_68 = arith.constant 0 : i32
        %dma_wait3A_69 = tpu.memref_slice %arg7[%add3A_61, %dma_wait3A_68] : memref<250x80xi32, #tpu.memory_space<vmem>> -> memref<1x80xi32, #tpu.memory_space<vmem>>
        %dma_wait3A_70 = tpu.memref_squeeze %dma_wait3A_69 : memref<1x80xi32, #tpu.memory_space<vmem>> -> memref<80xi32, #tpu.memory_space<vmem>>
        %dma_wait3A_71 = arith.constant 0 : i32
        %dma_wait3A_72 = arith.constant 0 : i32
        %dma_wait3A_73 = tpu.memref_slice %arg10[%dma_wait3A_71, %dma_wait3A_72] : memref<5184x128xf32, #tpu.memory_space<vmem_shared>> -> memref<5184x128xf32, #tpu.memory_space<vmem_shared>>
        tpu.wait_indirect_dma semaphore(%run_scoped3A : memref<!tpu.dma_semaphore, #tpu.memory_space<semaphore_mem>>) src(%arg9 : memref<80x128xf32, #tpu.memory_space<vmem>>) dst(%dma_wait3A_73 : memref<5184x128xf32, #tpu.memory_space<vmem_shared>>)
        tpu.yield
      }) : () -> ()
    }
    %scan3A_25 = arith.constant 125 : i32
    %barrier3A_26 = arith.constant 0 : index
    tpu.barrier barrier_id(%barrier3A_26)
    %mul3A_27 = arith.constant 320 : i32
    %mul3A_28 = arith.muli %arg1, %mul3A_27 : i32
    %mul3A_29 = arith.constant 320 : i32
    %mul3A_30 = arith.muli %arg1, %mul3A_29 : i32
    "tpu.region"() ({
      %run_scoped3A = tpu.sem_alloc : memref<!tpu.dma_semaphore, #tpu.memory_space<semaphore_mem>>
      %dma_start3A_31 = arith.constant 0 : i32
      %dma_start3A_32 = tpu.memref_slice %arg5[%arg0, %mul3A_30, %dma_start3A_31] : memref<2x5120x128xf32, #tpu.memory_space<hbm>> -> memref<1x320x128xf32, #tpu.memory_space<hbm>>
      %dma_start3A_33 = tpu.memref_squeeze %dma_start3A_32 : memref<1x320x128xf32, #tpu.memory_space<hbm>> -> memref<320x128xf32, #tpu.memory_space<hbm>>
      %dma_start3A_34 = arith.constant 0 : i32
      %dma_start3A_35 = tpu.memref_slice %arg10[%mul3A_28, %dma_start3A_34] : memref<5184x128xf32, #tpu.memory_space<vmem_shared>> -> memref<320x128xf32, #tpu.memory_space<vmem_shared>>
      tpu.enqueue_dma source(%dma_start3A_35 : memref<320x128xf32, #tpu.memory_space<vmem_shared>>) target(%dma_start3A_33 : memref<320x128xf32, #tpu.memory_space<hbm>>) target_semaphore(%run_scoped3A : memref<!tpu.dma_semaphore, #tpu.memory_space<semaphore_mem>>)
      %dma_wait3A = arith.constant 0 : i32
      %dma_wait3A_36 = tpu.memref_slice %arg5[%arg0, %mul3A_30, %dma_wait3A] : memref<2x5120x128xf32, #tpu.memory_space<hbm>> -> memref<1x320x128xf32, #tpu.memory_space<hbm>>
      %dma_wait3A_37 = tpu.memref_squeeze %dma_wait3A_36 : memref<1x320x128xf32, #tpu.memory_space<hbm>> -> memref<320x128xf32, #tpu.memory_space<hbm>>
      %dma_wait3A_38 = arith.constant 0 : i32
      %dma_wait3A_39 = tpu.memref_slice %arg10[%mul3A_28, %dma_wait3A_38] : memref<5184x128xf32, #tpu.memory_space<vmem_shared>> -> memref<320x128xf32, #tpu.memory_space<vmem_shared>>
      tpu.wait_dma2 semaphore(%run_scoped3A : memref<!tpu.dma_semaphore, #tpu.memory_space<semaphore_mem>>) src(%dma_wait3A_39 : memref<320x128xf32, #tpu.memory_space<vmem_shared>>) dst(%dma_wait3A_37 : memref<320x128xf32, #tpu.memory_space<hbm>>)
      tpu.yield
    }) : () -> ()
    return
  }
}

module attributes {stable_mosaic.version = 14 : i64} {
  func.func @_mm_body(%arg0: i32, %arg1: memref<1024x128xf32, #tpu.memory_space<vmem>>, %arg2: memref<128x128xf32, #tpu.memory_space<vmem>>, %arg3: memref<1024x128xf32, #tpu.memory_space<vmem>>) attributes {dimension_semantics = [#tpu.dimension_semantics<arbitrary>], iteration_bounds = array<i64: 10>, scalar_prefetch = 0 : i64, scratch_operands = 0 : i64, tpu.core_type = #tpu.core_type<tc>, window_params = [{transform_indices = @transform_0, window_bounds = array<i64: 1024, 128>}, {pipeline_mode = #tpu.pipeline_mode<synchronous>, transform_indices = @transform_1, window_bounds = array<i64: 128, 128>}, {transform_indices = @transform_2, window_bounds = array<i64: 1024, 128>}]} {
    %get3A = arith.constant 0 : index
    %get3A_0 = arith.constant 0 : index
    %get3A_1 = vector.load %arg1[%get3A, %get3A_0] : memref<1024x128xf32, #tpu.memory_space<vmem>>, vector<1024x128xf32>
    %get3A_2 = arith.constant 0 : index
    %get3A_3 = arith.constant 0 : index
    %get3A_4 = vector.load %arg2[%get3A_2, %get3A_3] : memref<128x128xf32, #tpu.memory_space<vmem>>, vector<128x128xf32>
    %dot_general3A = arith.constant dense<0.000000e+00> : vector<1024x128xf32>
    %dot_general3A_5 = tpu.matmul %get3A_1, %get3A_4, %dot_general3A {dimension_numbers = #tpu.dot_dimension_numbers<[1], [0], [0], [1], [0, 0, 1, 1], [], []>, transpose_lhs_hint = false} : vector<1024x128xf32>, vector<128x128xf32>, vector<1024x128xf32> -> vector<1024x128xf32>
    %swap3A = arith.constant 0 : index
    %swap3A_6 = arith.constant 0 : index
    %swap3A_7 = vector.load %arg3[%swap3A, %swap3A_6] : memref<1024x128xf32, #tpu.memory_space<vmem>>, vector<1024x128xf32>
    tpu.vector_store %arg3[%swap3A, %swap3A_6], %dot_general3A_5 {strides = array<i32>} : memref<1024x128xf32, #tpu.memory_space<vmem>>, vector<1024x128xf32>,
    return
  }
  func.func @transform_0(%arg0: i32) -> (i32, i32) {
    %c0_i32 = arith.constant 0 : i32
    %c0_i32_0 = arith.constant 0 : i32
    return %arg0, %c0_i32 : i32, i32
  }
  func.func @transform_1(%arg0: i32) -> (i32, i32) {
    %c0_i32 = arith.constant 0 : i32
    %c0_i32_0 = arith.constant 0 : i32
    %c0_i32_1 = arith.constant 0 : i32
    return %c0_i32, %c0_i32_0 : i32, i32
  }
  func.func @transform_2(%arg0: i32) -> (i32, i32) {
    %c0_i32 = arith.constant 0 : i32
    %c0_i32_0 = arith.constant 0 : i32
    return %arg0, %c0_i32 : i32, i32
  }
}

module attributes {stable_mosaic.version = 14 : i64} {
  func.func @_scale_body(%arg0: i32, %arg1: memref<1024x1xf32, #tpu.memory_space<vmem>>, %arg2: memref<1024x128xf32, #tpu.memory_space<vmem>>, %arg3: memref<1024x128xf32, #tpu.memory_space<vmem>>, %arg4: memref<1024x1xf32, #tpu.memory_space<vmem>>) attributes {dimension_semantics = [#tpu.dimension_semantics<arbitrary>], iteration_bounds = array<i64: 10>, scalar_prefetch = 0 : i64, scratch_operands = 0 : i64, tpu.core_type = #tpu.core_type<tc>, window_params = [{transform_indices = @transform_0, window_bounds = array<i64: 1024, 1>}, {transform_indices = @transform_1, window_bounds = array<i64: 1024, 128>}, {transform_indices = @transform_2, window_bounds = array<i64: 1024, 128>}, {transform_indices = @transform_3, window_bounds = array<i64: 1024, 1>}]} {
    %get3A = arith.constant 0 : index
    %get3A_0 = arith.constant 0 : index
    %get3A_1 = vector.load %arg1[%get3A, %get3A_0] : memref<1024x1xf32, #tpu.memory_space<vmem>>, vector<1024x1xf32>
    %add3A = arith.constant 1.000000e+00 : f32
    %add3A_2 = vector.broadcast %add3A : f32 to vector<1024x1xf32>
    %add3A_3 = arith.addf %get3A_1, %add3A_2 : vector<1024x1xf32>
    %rsqrt3A = math.rsqrt %add3A_3 : vector<1024x1xf32>
    %swap3A = arith.constant 0 : index
    %swap3A_4 = arith.constant 0 : index
    %swap3A_5 = vector.load %arg4[%swap3A, %swap3A_4] : memref<1024x1xf32, #tpu.memory_space<vmem>>, vector<1024x1xf32>
    tpu.vector_store %arg4[%swap3A, %swap3A_4], %rsqrt3A {strides = array<i32>} : memref<1024x1xf32, #tpu.memory_space<vmem>>, vector<1024x1xf32>,
    %get3A_6 = arith.constant 0 : index
    %get3A_7 = arith.constant 0 : index
    %get3A_8 = vector.load %arg2[%get3A_6, %get3A_7] : memref<1024x128xf32, #tpu.memory_space<vmem>>, vector<1024x128xf32>
    %mul3A = vector.broadcast %rsqrt3A : vector<1024x1xf32> to vector<1024x128xf32>
    %mul3A_9 = arith.mulf %get3A_8, %mul3A : vector<1024x128xf32>
    %swap3A_10 = arith.constant 0 : index
    %swap3A_11 = arith.constant 0 : index
    %swap3A_12 = vector.load %arg3[%swap3A_10, %swap3A_11] : memref<1024x128xf32, #tpu.memory_space<vmem>>, vector<1024x128xf32>
    tpu.vector_store %arg3[%swap3A_10, %swap3A_11], %mul3A_9 {strides = array<i32>} : memref<1024x128xf32, #tpu.memory_space<vmem>>, vector<1024x128xf32>,
    return
  }
  func.func @transform_0(%arg0: i32) -> (i32, i32) {
    %c0_i32 = arith.constant 0 : i32
    %c0_i32_0 = arith.constant 0 : i32
    return %arg0, %c0_i32 : i32, i32
  }
  func.func @transform_1(%arg0: i32) -> (i32, i32) {
    %c0_i32 = arith.constant 0 : i32
    %c0_i32_0 = arith.constant 0 : i32
    return %arg0, %c0_i32 : i32, i32
  }
  func.func @transform_2(%arg0: i32) -> (i32, i32) {
    %c0_i32 = arith.constant 0 : i32
    %c0_i32_0 = arith.constant 0 : i32
    return %arg0, %c0_i32 : i32, i32
  }
  func.func @transform_3(%arg0: i32) -> (i32, i32) {
    %c0_i32 = arith.constant 0 : i32
    %c0_i32_0 = arith.constant 0 : i32
    return %arg0, %c0_i32 : i32, i32
  }
}

module attributes {stable_mosaic.version = 14 : i64} {
  func.func @_comb_body(%arg0: i32, %arg1: memref<1024x128xf32, #tpu.memory_space<vmem>>, %arg2: memref<1024x128xf32, #tpu.memory_space<vmem>>, %arg3: memref<1024x1xf32, #tpu.memory_space<vmem>>, %arg4: memref<1x128xf32, #tpu.memory_space<vmem>>, %arg5: memref<128x128xf32, #tpu.memory_space<vmem>>, %arg6: memref<1024x128xf32, #tpu.memory_space<vmem>>) attributes {dimension_semantics = [#tpu.dimension_semantics<arbitrary>], iteration_bounds = array<i64: 10>, scalar_prefetch = 0 : i64, scratch_operands = 0 : i64, tpu.core_type = #tpu.core_type<tc>, window_params = [{transform_indices = @transform_0, window_bounds = array<i64: 1024, 128>}, {transform_indices = @transform_1, window_bounds = array<i64: 1024, 128>}, {transform_indices = @transform_2, window_bounds = array<i64: 1024, 1>}, {pipeline_mode = #tpu.pipeline_mode<synchronous>, transform_indices = @transform_3, window_bounds = array<i64: 1, 128>}, {pipeline_mode = #tpu.pipeline_mode<synchronous>, transform_indices = @transform_4, window_bounds = array<i64: 128, 128>}, {transform_indices = @transform_5, window_bounds = array<i64: 1024, 128>}]} {
    %get3A = arith.constant 0 : index
    %get3A_0 = arith.constant 0 : index
    %get3A_1 = vector.load %arg3[%get3A, %get3A_0] : memref<1024x1xf32, #tpu.memory_space<vmem>>, vector<1024x1xf32>
    %get3A_2 = arith.constant 0 : index
    %get3A_3 = arith.constant 0 : index
    %get3A_4 = vector.load %arg1[%get3A_2, %get3A_3] : memref<1024x128xf32, #tpu.memory_space<vmem>>, vector<1024x128xf32>
    %get3A_5 = arith.constant 0 : index
    %get3A_6 = arith.constant 0 : index
    %get3A_7 = vector.load %arg2[%get3A_5, %get3A_6] : memref<1024x128xf32, #tpu.memory_space<vmem>>, vector<1024x128xf32>
    %add3A = arith.addf %get3A_4, %get3A_7 : vector<1024x128xf32>
    %mul3A = vector.broadcast %get3A_1 : vector<1024x1xf32> to vector<1024x128xf32>
    %mul3A_8 = arith.mulf %mul3A, %add3A : vector<1024x128xf32>
    %get3A_9 = arith.constant 0 : index
    %get3A_10 = arith.constant 0 : index
    %get3A_11 = vector.load %arg4[%get3A_9, %get3A_10] : memref<1x128xf32, #tpu.memory_space<vmem>>, vector<1x128xf32>
    %add3A_12 = vector.broadcast %get3A_11 : vector<1x128xf32> to vector<1024x128xf32>
    %add3A_13 = arith.addf %mul3A_8, %add3A_12 : vector<1024x128xf32>
    %max3A = arith.constant 0.000000e+00 : f32
    %max3A_14 = vector.broadcast %max3A : f32 to vector<1024x128xf32>
    %max3A_15 = arith.maximumf %add3A_13, %max3A_14 : vector<1024x128xf32>
    %get3A_16 = arith.constant 0 : index
    %get3A_17 = arith.constant 0 : index
    %get3A_18 = vector.load %arg5[%get3A_16, %get3A_17] : memref<128x128xf32, #tpu.memory_space<vmem>>, vector<128x128xf32>
    %dot_general3A = arith.constant dense<0.000000e+00> : vector<1024x128xf32>
    %dot_general3A_19 = tpu.matmul %max3A_15, %get3A_18, %dot_general3A {dimension_numbers = #tpu.dot_dimension_numbers<[1], [0], [0], [1], [0, 0, 1, 1], [], []>, transpose_lhs_hint = false} : vector<1024x128xf32>, vector<128x128xf32>, vector<1024x128xf32> -> vector<1024x128xf32>
    %mul3A_20 = vector.broadcast %get3A_1 : vector<1024x1xf32> to vector<1024x128xf32>
    %mul3A_21 = arith.mulf %dot_general3A_19, %mul3A_20 : vector<1024x128xf32>
    %swap3A = arith.constant 0 : index
    %swap3A_22 = arith.constant 0 : index
    %swap3A_23 = vector.load %arg6[%swap3A, %swap3A_22] : memref<1024x128xf32, #tpu.memory_space<vmem>>, vector<1024x128xf32>
    tpu.vector_store %arg6[%swap3A, %swap3A_22], %mul3A_21 {strides = array<i32>} : memref<1024x128xf32, #tpu.memory_space<vmem>>, vector<1024x128xf32>,
    return
  }
  func.func @transform_0(%arg0: i32) -> (i32, i32) {
    %c0_i32 = arith.constant 0 : i32
    %c0_i32_0 = arith.constant 0 : i32
    return %arg0, %c0_i32 : i32, i32
  }
  func.func @transform_1(%arg0: i32) -> (i32, i32) {
    %c0_i32 = arith.constant 0 : i32
    %c0_i32_0 = arith.constant 0 : i32
    return %arg0, %c0_i32 : i32, i32
  }
  func.func @transform_2(%arg0: i32) -> (i32, i32) {
    %c0_i32 = arith.constant 0 : i32
    %c0_i32_0 = arith.constant 0 : i32
    return %arg0, %c0_i32 : i32, i32
  }
  func.func @transform_3(%arg0: i32) -> (i32, i32) {
    %c0_i32 = arith.constant 0 : i32
    %c0_i32_0 = arith.constant 0 : i32
    %c0_i32_1 = arith.constant 0 : i32
    return %c0_i32, %c0_i32_0 : i32, i32
  }
  func.func @transform_4(%arg0: i32) -> (i32, i32) {
    %c0_i32 = arith.constant 0 : i32
    %c0_i32_0 = arith.constant 0 : i32
    %c0_i32_1 = arith.constant 0 : i32
    return %c0_i32, %c0_i32_0 : i32, i32
  }
  func.func @transform_5(%arg0: i32) -> (i32, i32) {
    %c0_i32 = arith.constant 0 : i32
    %c0_i32_0 = arith.constant 0 : i32
    return %arg0, %c0_i32 : i32, i32
  }
}

module attributes {stable_mosaic.version = 14 : i64} {
  func.func @_final_body(%arg0: i32, %arg1: memref<1024x128xf32, #tpu.memory_space<vmem>>, %arg2: memref<1024x128xf32, #tpu.memory_space<vmem>>, %arg3: memref<1024x1xf32, #tpu.memory_space<vmem>>, %arg4: memref<1x128xf32, #tpu.memory_space<vmem>>, %arg5: memref<1x1024xi32, #tpu.memory_space<vmem>>, %arg6: memref<1024x128xf32, #tpu.memory_space<vmem>>, %arg7: memref<16x128xf32, #tpu.memory_space<vmem>>) attributes {dimension_semantics = [#tpu.dimension_semantics<arbitrary>], iteration_bounds = array<i64: 10>, scalar_prefetch = 0 : i64, scratch_operands = 0 : i64, tpu.core_type = #tpu.core_type<tc>, window_params = [{transform_indices = @transform_0, window_bounds = array<i64: 1024, 128>}, {transform_indices = @transform_1, window_bounds = array<i64: 1024, 128>}, {transform_indices = @transform_2, window_bounds = array<i64: 1024, 1>}, {pipeline_mode = #tpu.pipeline_mode<synchronous>, transform_indices = @transform_3, window_bounds = array<i64: 1, 128>}, {transform_indices = @transform_4, window_bounds = array<i64: 1, 1024>}, {transform_indices = @transform_5, window_bounds = array<i64: 1024, 128>}, {pipeline_mode = #tpu.pipeline_mode<synchronous>, transform_indices = @transform_6, window_bounds = array<i64: 16, 128>}]} {
    %get3A = arith.constant 0 : index
    %get3A_0 = arith.constant 0 : index
    %get3A_1 = vector.load %arg3[%get3A, %get3A_0] : memref<1024x1xf32, #tpu.memory_space<vmem>>, vector<1024x1xf32>
    %get3A_2 = arith.constant 0 : index
    %get3A_3 = arith.constant 0 : index
    %get3A_4 = vector.load %arg1[%get3A_2, %get3A_3] : memref<1024x128xf32, #tpu.memory_space<vmem>>, vector<1024x128xf32>
    %get3A_5 = arith.constant 0 : index
    %get3A_6 = arith.constant 0 : index
    %get3A_7 = vector.load %arg2[%get3A_5, %get3A_6] : memref<1024x128xf32, #tpu.memory_space<vmem>>, vector<1024x128xf32>
    %add3A = arith.addf %get3A_4, %get3A_7 : vector<1024x128xf32>
    %mul3A = vector.broadcast %get3A_1 : vector<1024x1xf32> to vector<1024x128xf32>
    %mul3A_8 = arith.mulf %mul3A, %add3A : vector<1024x128xf32>
    %get3A_9 = arith.constant 0 : index
    %get3A_10 = arith.constant 0 : index
    %get3A_11 = vector.load %arg4[%get3A_9, %get3A_10] : memref<1x128xf32, #tpu.memory_space<vmem>>, vector<1x128xf32>
    %add3A_12 = vector.broadcast %get3A_11 : vector<1x128xf32> to vector<1024x128xf32>
    %add3A_13 = arith.addf %mul3A_8, %add3A_12 : vector<1024x128xf32>
    %max3A = arith.constant 0.000000e+00 : f32
    %max3A_14 = vector.broadcast %max3A : f32 to vector<1024x128xf32>
    %max3A_15 = arith.maximumf %add3A_13, %max3A_14 : vector<1024x128xf32>
    %swap3A = arith.constant 0 : index
    %swap3A_16 = arith.constant 0 : index
    %swap3A_17 = vector.load %arg6[%swap3A, %swap3A_16] : memref<1024x128xf32, #tpu.memory_space<vmem>>, vector<1024x128xf32>
    tpu.vector_store %arg6[%swap3A, %swap3A_16], %max3A_15 {strides = array<i32>} : memref<1024x128xf32, #tpu.memory_space<vmem>>, vector<1024x128xf32>,
    %iota3A = tpu.iota {dimensions = array<i32: 0>} : vector<16x1024xi32>
    %get3A_18 = arith.constant 0 : index
    %get3A_19 = arith.constant 0 : index
    %get3A_20 = vector.load %arg5[%get3A_18, %get3A_19] : memref<1x1024xi32, #tpu.memory_space<vmem>>, vector<1x1024xi32>
    %eq3A = vector.broadcast %get3A_20 : vector<1x1024xi32> to vector<16x1024xi32>
    %eq3A_21 = arith.cmpi eq, %iota3A, %eq3A : vector<16x1024xi32>
    %jit3A = arith.constant 1.000000e+00 : f32
    %jit3A_22 = arith.constant 0.000000e+00 : f32
    %broadcast_in_dim3A = vector.broadcast %jit3A : f32 to vector<16x1024xf32>
    %broadcast_in_dim3A_23 = vector.broadcast %jit3A_22 : f32 to vector<16x1024xf32>
    %select_n3A = arith.select %eq3A_21, %broadcast_in_dim3A, %broadcast_in_dim3A_23 : vector<16x1024xi1>, vector<16x1024xf32>
    %dot_general3A = arith.constant dense<0.000000e+00> : vector<16x128xf32>
    %dot_general3A_24 = tpu.matmul %select_n3A, %max3A_15, %dot_general3A {dimension_numbers = #tpu.dot_dimension_numbers<[1], [0], [0], [1], [0, 0, 1, 1], [], []>, transpose_lhs_hint = false} : vector<16x1024xf32>, vector<1024x128xf32>, vector<16x128xf32> -> vector<16x128xf32>
    %eq3A_25 = arith.constant 0 : i32
    %eq3A_26 = arith.cmpi eq, %arg0, %eq3A_25 : i32
    %convert_element_type3A = arith.extui %eq3A_26 : i1 to i32
    %cond3A = arith.constant 0 : i32
    %cond3A_27 = arith.cmpi ne, %convert_element_type3A, %cond3A : i32
    scf.if %cond3A_27 {
      %swap3A_32 = arith.constant 0 : index
      %swap3A_33 = arith.constant 0 : index
      %swap3A_34 = vector.load %arg7[%swap3A_32, %swap3A_33] : memref<16x128xf32, #tpu.memory_space<vmem>>, vector<16x128xf32>
      tpu.vector_store %arg7[%swap3A_32, %swap3A_33], %dot_general3A_24 {strides = array<i32>} : memref<16x128xf32, #tpu.memory_space<vmem>>, vector<16x128xf32>,
    } else {
    }
    %ne3A = arith.constant 0 : i32
    %ne3A_28 = arith.cmpi ne, %arg0, %ne3A : i32
    %convert_element_type3A_29 = arith.extui %ne3A_28 : i1 to i32
    %cond3A_30 = arith.constant 0 : i32
    %cond3A_31 = arith.cmpi ne, %convert_element_type3A_29, %cond3A_30 : i32
    scf.if %cond3A_31 {
      %get3A_32 = arith.constant 0 : index
      %get3A_33 = arith.constant 0 : index
      %get3A_34 = vector.load %arg7[%get3A_32, %get3A_33] : memref<16x128xf32, #tpu.memory_space<vmem>>, vector<16x128xf32>
      %add3A_35 = arith.addf %get3A_34, %dot_general3A_24 : vector<16x128xf32>
      %swap3A_36 = arith.constant 0 : index
      %swap3A_37 = arith.constant 0 : index
      %swap3A_38 = vector.load %arg7[%swap3A_36, %swap3A_37] : memref<16x128xf32, #tpu.memory_space<vmem>>, vector<16x128xf32>
      tpu.vector_store %arg7[%swap3A_36, %swap3A_37], %add3A_35 {strides = array<i32>} : memref<16x128xf32, #tpu.memory_space<vmem>>, vector<16x128xf32>,
    } else {
    }
    return
  }
  func.func @transform_0(%arg0: i32) -> (i32, i32) {
    %c0_i32 = arith.constant 0 : i32
    %c0_i32_0 = arith.constant 0 : i32
    return %arg0, %c0_i32 : i32, i32
  }
  func.func @transform_1(%arg0: i32) -> (i32, i32) {
    %c0_i32 = arith.constant 0 : i32
    %c0_i32_0 = arith.constant 0 : i32
    return %arg0, %c0_i32 : i32, i32
  }
  func.func @transform_2(%arg0: i32) -> (i32, i32) {
    %c0_i32 = arith.constant 0 : i32
    %c0_i32_0 = arith.constant 0 : i32
    return %arg0, %c0_i32 : i32, i32
  }
  func.func @transform_3(%arg0: i32) -> (i32, i32) {
    %c0_i32 = arith.constant 0 : i32
    %c0_i32_0 = arith.constant 0 : i32
    %c0_i32_1 = arith.constant 0 : i32
    return %c0_i32, %c0_i32_0 : i32, i32
  }
  func.func @transform_4(%arg0: i32) -> (i32, i32) {
    %c0_i32 = arith.constant 0 : i32
    %c0_i32_0 = arith.constant 0 : i32
    return %c0_i32, %arg0 : i32, i32
  }
  func.func @transform_5(%arg0: i32) -> (i32, i32) {
    %c0_i32 = arith.constant 0 : i32
    %c0_i32_0 = arith.constant 0 : i32
    return %arg0, %c0_i32 : i32, i32
  }
  func.func @transform_6(%arg0: i32) -> (i32, i32) {
    %c0_i32 = arith.constant 0 : i32
    %c0_i32_0 = arith.constant 0 : i32
    %c0_i32_1 = arith.constant 0 : i32
    return %c0_i32, %c0_i32_0 : i32, i32
  }
}

</mosaic_0001>

<sc_bundles>
// kernel: kernel.12.cloned.1.call-start
scs
__scs_entry_jumppad:
0x0: {  	(pc) =	sbr.rel $0x88, $3  }
0x1: {  	(tag) =	ssettag $0x0;
	lr =	simm.s32 $0x1  }
0x2: {  	[smem:$0x3F9A] =	sst lr;
	_ =	strace $0xD0000000  }
0x3: {  	_ = 	snop  }
0x4: {  	_ = 	snop  }
0x5: {  	_ = 	snop  }
0x6: {  	_ = 	snop  }
0x7: {  	_ = 	snop  }
__scs_overlays_trampoline_lowered:
0x8: {  	[smem:$0x3FA9] =	sst s0  }
0x9: {  	[smem:$0x3FAA] =	sst s1  }
0xa: {  	[smem:$0x3FAB] =	sst s2  }
0xb: {  	[smem:$0x3FAC] =	sst s3  }
0xc: {  	[smem:$0x3FAD] =	sst s4  }
0xd: {  	[smem:$0x3FAE] =	sst s5  }
0xe: {  	[smem:$0x3FAF] =	sst s6  }
0xf: {  	[smem:$0x3FB0] =	sst s7  }
0x10: {  	[smem:$0x3FB1] =	sst s8  }
0x11: {  	[smem:$0x3FB2] =	sst s9;
	s0 =	simm.s32 @!p0 $0x0  }
0x12: {  	s1 =	sld [smem:$0x3F98];
	s0 =	simm.s32 @p0 $0x1  }
0x13: {  	[smem:$0x3FB3] =	sst s0;
	s0 =	simm.s32 @!p1 $0x0  }
0x14: {  	s2 =	sld [smem:$0x3F97];
	s0 =	simm.s32 @p1 $0x1  }
0x15: {  	[smem:$0x3FB4] =	sst s0;
	s0 =	simm.s32 @!p2 $0x0  }
0x16: {  	s3 =	sld [smem:$0x3FDB];
	s0 =	simm.s32 @p2 $0x1  }
0x17: {  	s4 =	simm.s32 $0x1BF5;
	[smem:$0x3FB6] =	sst s0  }
0x18: {  	s0 =	sld [smem:$0x3F99];
	_ =	swait.ge [sflag:s4], $0x0  }
0x19: {  	s7 =	sld [smem:$0x3F9A]  }
0x1a: {  	s8 =	sadd.s32 $0xFFFFE003, lr  }
0x1b: {  	s9 =	sadd.s32 $0xFFFFFEF7, lr;
	s5 =	simm.s32 $0xFFFFFFFF;
	p2 =	slt.u32 s8, $0xFFFFF086  }
0x1c: {  	p1 =	slt.u32 s9, $0xF7A;
	s5 =	simm.s32 @!p2 $0x0  }
0x1d: {  	s5 =	simm.s32 @p1 $0x1;
	p0 =	seq.s32 s7, s2  }
0x1e: {  	s7 =	smul.u32 @!p0 $0xF7A, s2;
	p2 =	seq.s32 @!p0 s5, $0x0  }
0x1f: {  	s9 =	smul.u32 $0xF7A, s1;
	s8 =	simm.s32 @!p0 $0x1BF5;
	p2 =	por !p2, p0  }
0x20: {  	[sflag:s8] =	ssyncset.s32 @!p0 $0xFFFFF086;
	s6 =	sadd.s32 @!p0 s3, s7;
	s7 =	simm.s32 @!p0 $0x108  }
0x21: {  	s3 =	sadd.s32 s3, s9;
	s6 =	sadd.s32 @!p0 $0x88, s6;
	s7 =	simm.s32 @p2 $0x1082  }
0x22: {  	[simem:s7], [sflag:s8] =	dma.local @!p0 [hbm:s6], $0xF7A  }
0x23: {  	s9 =	sor.u32 $0xD0000000, s2;
	s6 =	simm.s32 $0x108;
	_ =	swait.ge @!p0 [sflag:s8], $0x0  }
0x24: {  	s3 =	sadd.s32 $0x88, s3;
	s6 =	simm.s32 @!p1 $0x1082;
	[sflag:s4] =	ssyncset.s32 $0xFFFFF086  }
0x25: {  	[simem:s6], [sflag:s4] =	dma.local [hbm:s3], $0xF7A  }
0x26: {  	[smem:$0x3F9A] =	sst s1;
	(tag) =	ssettag s2;
	_ =	strace s9  }
0x27: {  	s1 =	sld [smem:$0x3FAA]  }
0x28: {  	s2 =	sld [smem:$0x3FAB]  }
0x29: {  	s4 =	sld [smem:$0x3FAD]  }
0x2a: {  	p0 =	seq.s32 s5, $0x0;
	s5 =	sld [smem:$0x3FAE]  }
0x2b: {  	s6 =	sld [smem:$0x3FAF]  }
0x2c: {  	s7 =	sld [smem:$0x3FB0]  }
0x2d: {  	s3 =	simm.s32 $0x108;
	s8 =	sld [smem:$0x3FB1]  }
0x2e: {  	s3 =	simm.s32 @!p0 $0x1082;
	s9 =	sld [smem:$0x3FB2]  }
0x2f: {  	lr =	sadd.s32 s0, s3;
	s0 =	sld [smem:$0x3FA9]  }
0x30: {  	s3 =	sld [smem:$0x3FAC]  }
0x31: {  	[smem:$0x3FB5] =	sst s10  }
0x32: {  	s10 =	sld [smem:$0x3FB3];
	_ =	sdelay $0x3  }
0x33: {  	p0 =	seq.s32 s10, $0x1;
	s10 =	sld [smem:$0x3FB5];
	_ =	sdelay $0x3  }
0x34: {  	[smem:$0x3FB5] =	sst s10  }
0x35: {  	s10 =	sld [smem:$0x3FB4];
	_ =	sdelay $0x3  }
0x36: {  	p1 =	seq.s32 s10, $0x1;
	s10 =	sld [smem:$0x3FB5];
	_ =	sdelay $0x3  }
0x37: {  	[smem:$0x3FB5] =	sst s10  }
0x38: {  	s10 =	sld [smem:$0x3FB6]  }
0x39: {  	_ = 	snop;
	(pc) =	sbr.ind lr, $3  }
0x3a: {  	_ = 	snop  }
0x3b: {  	_ = 	snop  }
0x3c: {  	p2 =	seq.s32 s10, $0x1;
	s10 =	sld [smem:$0x3FB5]  }
0x3d: {  	_ =	shalt  }
0x3e: {  	_ =	shalt  }
0x3f: {  	_ =	shalt  }
0x40: {  	_ =	shalt  }
0x41: {  	_ =	shalt  }
0x42: {  	_ =	shalt  }
0x43: {  	_ =	shalt  }
0x44: {  	_ =	shalt  }
0x45: {  	_ =	shalt  }
0x46: {  	_ =	shalt  }
0x47: {  	_ =	shalt  }
0x48: {  	_ =	shalt  }
0x49: {  	_ =	shalt  }
0x4a: {  	_ =	shalt  }
0x4b: {  	_ =	shalt  }
0x4c: {  	_ =	shalt  }
0x4d: {  	_ =	shalt  }
0x4e: {  	_ =	shalt  }
0x4f: {  	_ =	shalt  }
0x50: {  	_ =	shalt  }
0x51: {  	_ =	shalt  }
0x52: {  	_ =	shalt  }
0x53: {  	_ =	shalt  }
0x54: {  	_ =	shalt  }
0x55: {  	_ =	shalt  }
0x56: {  	_ =	shalt  }
0x57: {  	_ =	shalt  }
0x58: {  	_ =	shalt  }
0x59: {  	_ =	shalt  }
0x5a: {  	_ =	shalt  }
0x5b: {  	_ =	shalt  }
0x5c: {  	_ =	shalt  }
0x5d: {  	_ =	shalt  }
0x5e: {  	_ =	shalt  }
0x5f: {  	_ =	shalt  }
0x60: {  	_ =	shalt  }
0x61: {  	_ =	shalt  }
0x62: {  	_ =	shalt  }
0x63: {  	_ =	shalt  }
0x64: {  	_ =	shalt  }
0x65: {  	_ =	shalt  }
0x66: {  	_ =	shalt  }
0x67: {  	_ =	shalt  }
0x68: {  	_ =	shalt  }
0x69: {  	_ =	shalt  }
0x6a: {  	_ =	shalt  }
0x6b: {  	_ =	shalt  }
0x6c: {  	_ =	shalt  }
0x6d: {  	_ =	shalt  }
0x6e: {  	_ =	shalt  }
0x6f: {  	_ =	shalt  }
0x70: {  	_ =	shalt  }
0x71: {  	_ =	shalt  }
0x72: {  	_ =	shalt  }
0x73: {  	_ =	shalt  }
0x74: {  	_ =	shalt  }
0x75: {  	_ =	shalt  }
0x76: {  	_ =	shalt  }
0x77: {  	_ =	shalt  }
0x78: {  	_ =	shalt  }
0x79: {  	_ =	shalt  }
0x7a: {  	_ =	shalt  }
0x7b: {  	_ =	shalt  }
0x7c: {  	_ =	shalt  }
0x7d: {  	_ =	shalt  }
0x7e: {  	_ =	shalt  }
0x7f: {  	_ =	shalt  }
0x80: {  	_ =	shalt  }
0x81: {  	_ =	shalt  }
0x82: {  	_ =	shalt  }
0x83: {  	_ =	shalt  }
0x84: {  	_ =	shalt  }
0x85: {  	_ =	shalt  }
0x86: {  	_ =	shalt  }
0x87: {  	_ =	shalt  }
.Lfunc_end0:
.L_simem_size_0:
called_computation.1_lowered:
.L_overlay_start_0:
0x88: {  	s2 =	sld [smem:$0x3FD9]  }
0x89: {  	s3 =	sld [smem:$0x3FFE];
	_ =	sdelay $0x1  }
0x8a: {  	s1 =	srdreg.scid  }
0x8b: {  	s0 =	sand.u32 $0x1, s1  }
0x8c: {  	s14 =	sshll.u32 s0, $0xA;
	s2 =	sadd.s32 s3, s2  }
0x8d: {  	s2 =	sadd.s32 s2, s14  }
0x8e: {  	[smem:$0x3FC1] =	sst s2  }
0x8f: {  	_ = 	snop  }
0x90: {  	s2 =	sld [smem:$0x3FD0];
	_ =	sdelay $0x2  }
0x91: {  	s15 =	simm.s32 $0xA;
	s4 =	simm.s32 $0x10  }
0x92: {  	[smem:s4], [sflag:s15] =	dma.local [hbm:s2], $0x1  }
0x93: {  	_ =	swait.eq [sflag:s15], $0x1  }
0x94: {  	[sflag:s15] =	ssyncset.done $0x0  }
0x95: {  	[sflag:s15] =	ssyncadd.s32 $0xFFFFFFFF  }
0x96: {  	s16 =	sld [smem:$0x10];
	(tm) =	ssettm $0x1  }
0x97: {  	s17 =	sld [smem:$0x3FFB];
	_ =	sdelay $0x3  }
0x98: {  	_ =	strace s17  }
0x99: {  	s3 =	sld [smem:$0x3FFC];
	_ =	sdelay $0x3  }
0x9a: {  	_ =	strace s3  }
0x9b: {  	s3 =	sld [smem:$0x3FFD];
	_ =	sdelay $0x3  }
0x9c: {  	_ =	strace s3  }
0x9d: {  	_ =	strace $0x8FFFFFFF  }
0x9e: {  	s18 =	sld [smem:$0x3FDB];
	_ =	sdelay $0x1  }
0x9f: {  	s19 =	simm.s32 $_scs_section_size  }
0xa0: {  	s5 =	simm.s32 $_size__tile_overlayer_lowered;
	s6 =	simm.s32 $_tile_overlayer_lowered  }
0xa1: {  	s22 =	simm.s32 $0x1BFF;
	s21 =	sshll.u32 s6, $0x1;
	s3 =	sadd.s32 s19, s18  }
0xa2: {  	s7 =	simm.s32 $0x0;
	s20 =	sshll.u32 s5, $0x1;
	s5 =	sadd.s32 s21, s3  }
0xa3: {  	[timem:s7], [sflag:s22] =	dma.local [hbm:s5], s20  }
0xa4: {  	_ =	swait.ge [sflag:s22], s20  }
0xa5: {  	s4 =	ssub.s32 $0x0, s20;
	[sflag:s22] =	ssyncset.done $0x0  }
0xa6: {  	[sflag:s22] =	ssyncadd.s32 s4;
	_ =	sdelay $0x1  }
0xa7: {  	s23 =	simm.s32 $0x1B8B  }
0xa8: {  	_ =	swait.ge [sflag:s23], $0x1  }
0xa9: {  	[sflag:s23] =	ssyncset.done $0x0  }
0xaa: {  	s25 =	simm.s32 $0x1B8E;
	s24 =	sld [smem:$0x3FFE];
	[sflag:s23] =	ssyncadd.s32 $0xFFFFFFFF  }
0xab: {  	s26 =	simm.s32 $execute0_lowered;
	[smem:$0x3FD2] =	sst s25  }
0xac: {  	s5 =	sshll.u32 s26, $0x1;
	_ =	strace $0x80000049;
	[dreg:$0x1] =	wrdreg $0xFFFFFFFF  }
0xad: {  	s28 =	simm.s32 $_size_execute0_lowered;
	s3 =	sadd.s32 s3, s5;
	[dreg:$0x0] =	wrdreg $0x0  }
0xae: {  	s5 =	sshll.u32 s28, $0x1;
	[dreg:$0x2] =	wrdreg s3  }
0xaf: {  	[dreg:$0x3] =	wrdreg s5  }
0xb0: {  	[dreg:$0x4] =	wrdreg $0xC0  }
0xb1: {  	_ =	task [dreg:s7], $0x5FFFF  }
0xb2: {  	[dreg:$0x1] =	wrdreg $0xFFFFFFFF  }
0xb3: {  	[dreg:$0x0] =	wrdreg $0x60  }
0xb4: {  	[dreg:$0x2] =	wrdreg s24  }
0xb5: {  	[dreg:$0x3] =	wrdreg s16  }
0xb6: {  	[dreg:$0x4] =	wrdreg $0x150000  }
0xb7: {  	[dreg:$0x5] =	wrdreg $0x9  }
0xb8: {  	_ =	task.clear_ibuf [dreg:s7], $0x6FFFF;
	_ =	strace $0x90000049  }
0xb9: {  	s29 =	simm.s32 $0x9;
	_ =	strace $0x8000004B  }
0xba: {  	_ =	swait.ge [sflag:s29], $0x1  }
0xbb: {  	[sflag:s29] =	ssyncadd.s32 $0xFFFFFFFF  }
0xbc: {  	_ =	strace $0x9000004B  }
0xbd: {  	_ =	sfence  }
0xbe: {  	s30 =	sld [smem:$0x0];
	_ =	sdelay $0x2  }
0xbf: {  	s31 =	sshll.u32 s1, $0xD;
	s1 =	sshrl.u32 s1, $0x2  }
0xc0: {  	s3 =	sand.u32 $0x4000, s31;
	s1 =	sadd.s32 s1, s30  }
0xc1: {  	s0 =	sor.u32 s3, s0;
	s1 =	sshll.u32 s1, $0x11  }
0xc2: {  	s0 =	sor.u32 s1, s0  }
0xc3: {  	s0 =	sadd.s32 $0x8F2B, s0  }
0xc4: {  	[sflag:s0] =	ssyncadd.remote.s32 $0x1  }
0xc5: {  	_ =	sfence.sel $0xFFFF  }
0xc6: {  	[dreg:$0x0] =	wrdreg $0xFFFFFFFF;
	(pc) =	sbr.abs _section_cstart, $3  }
0xc7: {  	[dreg:$0x1] =	wrdreg $0xFFFFFFFF  }
0xc8: {  	_ =	task.clear_ibuf [dreg:s7], $0x2FFFF;
	_ =	strace $0x9FFFFFFF  }
0xc9: {  	(tm) =	ssettm $0x7FFFFFFF  }
tec
execute0_lowered:
.L_overlay_start_1:
0x0: {  	(tag) =	ssettag $0x1  }
0x1: {  	s0 =	rddreg [dreg:$0x0]  }
0x2: {  	s6 =	rddreg [dreg:$0x1]  }
0x3: {  	s1 =	rddreg [dreg:$0x2];
	s2 =	srdreg.scid  }
0x4: {  	s3 =	simm.s32 $0x0;
	s22 =	stileid.u32;
	s18 =	simm.s32 $0x10000  }
0x5: {  	s19 =	simm.s32 $0x3;
	s21 =	simm.s32 $0x50;
	s29 =	simm.s32 $0xFC80  }
0x6: {  	s30 =	simm.s32 $0x0;
	s5 =	sand.u32 $0x1, s2;
	s8 =	smul.u32 $0xA000, s22  }
0x7: {  	[smem:$0x7FF] =	sst s3;
	s9 =	sshll.u32 s22, $0xC;
	s11 =	smul.u32 $0x28000, s22  }
0x8: {  	s4 =	sadd.s32 $0x2800, s0;
	s12 =	smul.u32 $0x28800, s22;
	s22 =	simm.s32 $0x12800  }
0x9: {  	s7 =	smul.u32 $0xA0000, s5;
	_ =	strace $0x8000004A;
	s10 =	sadd.s32 s9, s0  }
0xa: {  	s23 =	ssub.s32 $0x2, s5;
	s28 =	smul.u32 $0xFFFFEC00, s5;
	s6 =	sadd.s32 s6, s9  }
0xb: {  	s24 =	sshrl.u32 s23, $0x1;
	s5 =	sadd.s32 $0x2A800, s10;
	s25 =	sshrl.u32 s11, $0x2  }
0xc: {  	s26 =	sshrl.u32 s12, $0x2;
	s7 =	sadd.s32 s8, s7;
	s13 =	ssub.s32 s23, s24  }
0xd: {  	s31 =	sadd.s32 s25, s1;
	s8 =	sadd.s32 s26, s1;
	s23 =	simm.s32 $0x1  }
0xe: {  	s25 =	simm.s32 $0x2;
	v0 =	vmov s28;
	s28 =	simm.s32 $0xFC00;
	s7 =	sshrl.u32 s7, $0x3  }
0xf: {  	s9 =	smax.u32 s13, $0x1;
	s10 =	sadd.s32 $0x1200, s8;
	s11 =	sadd.s32 $0x2400, s8  }
0x10: {  	s12 =	sadd.s32 $0x3600, s8;
	s13 =	sadd.s32 $0x4800, s8;
	s14 =	sadd.s32 $0x5A00, s8  }
0x11: {  	s15 =	sadd.s32 $0x6C00, s8;
	s16 =	sadd.s32 $0x7E00, s8;
	s0 =	sadd.s32 s7, s0  }
0x12: {  	v1 =	vimm.f32 $0.0e+00;
	s17 =	sadd.s32 $0x9000, s8;
	s24 =	sshrl.u32 s31, $0x3;
	s7 =	sadd.s32 $0x3A800, s0  }
.LBB2_1:
0x13: {  	s0 =	simm.s32 $0x70;
	s31 =	simm.s32 $0x3C0  }
.LBB2_2:
0x14: {  	p0 =	sne.s32 s31, $0x9FC0;
	[tilespmem:s0+$0x10000] =	vst v1  }
0x15: {  	[tilespmem:s0+$0xFF90] =	vst v1  }
0x16: {  	[tilespmem:s0+$0xFFA0] =	vst v1  }
.Ltmp0:
0x17: {  	[tilespmem:s0+$0xFFB0] =	vst v1;
	(pc) =	sbr.rel @p0 .LBB2_2-.Ltmp0, $4  }
0x18: {  	[tilespmem:s0+$0xFFC0] =	vst v1  }
0x19: {  	[tilespmem:s0+$0xFFD0] =	vst v1  }
0x1a: {  	[tilespmem:s0+$0xFFE0] =	vst v1  }
0x1b: {  	[tilespmem:s0+$0xFFF0] =	vst v1;
	s0 =	sshra.s32 s31, $0x2;
	s31 =	sadd.s32 $0x200, s31  }
0x1c: {  	[tilespmem:s0+$0x10000] =	vst v1  }
0x1d: {  	[tilespmem:s0+$0xFF90] =	vst v1  }
0x1e: {  	[tilespmem:s0+$0xFFA0] =	vst v1  }
0x1f: {  	[tilespmem:s0+$0xFFB0] =	vst v1  }
0x20: {  	[tilespmem:s0+$0xFFC0] =	vst v1  }
0x21: {  	[tilespmem:s0+$0xFFD0] =	vst v1  }
0x22: {  	[tilespmem:s0+$0xFFE0] =	vst v1  }
0x23: {  	[tilespmem:s0+$0xFFF0] =	vst v1  }
0x24: {  	[spmem:s8] =	stream.linear.scatter [tilespmem:s18], [sflag:$0x3], $0x1200, $0x38;
	[tilespmem:$0x1F200] =	vst v63  }
0x25: {  	_ =	swait.ge [sflag:s19], $0x1200  }
0x26: {  	[sflag:s19] =	ssyncset.done $0x0  }
0x27: {  	[sflag:s19] =	ssyncadd.s32 $0xFFFFEE00  }
0x28: {  	[spmem:s10] =	stream.linear.scatter [tilespmem:s18], [sflag:$0x3], $0x1200, $0x38;
	[tilespmem:$0x1F200] =	vst v63  }
0x29: {  	_ =	swait.ge [sflag:s19], $0x1200  }
0x2a: {  	[sflag:s19] =	ssyncset.done $0x0  }
0x2b: {  	[sflag:s19] =	ssyncadd.s32 $0xFFFFEE00  }
0x2c: {  	[spmem:s11] =	stream.linear.scatter [tilespmem:s18], [sflag:$0x3], $0x1200, $0x38;
	[tilespmem:$0x1F200] =	vst v63  }
0x2d: {  	_ =	swait.ge [sflag:s19], $0x1200  }
0x2e: {  	[sflag:s19] =	ssyncset.done $0x0  }
0x2f: {  	[sflag:s19] =	ssyncadd.s32 $0xFFFFEE00  }
0x30: {  	[spmem:s12] =	stream.linear.scatter [tilespmem:s18], [sflag:$0x3], $0x1200, $0x38;
	[tilespmem:$0x1F200] =	vst v63  }
0x31: {  	_ =	swait.ge [sflag:s19], $0x1200  }
0x32: {  	[sflag:s19] =	ssyncset.done $0x0  }
0x33: {  	[sflag:s19] =	ssyncadd.s32 $0xFFFFEE00  }
0x34: {  	[spmem:s13] =	stream.linear.scatter [tilespmem:s18], [sflag:$0x3], $0x1200, $0x38;
	[tilespmem:$0x1F200] =	vst v63  }
0x35: {  	_ =	swait.ge [sflag:s19], $0x1200  }
0x36: {  	[sflag:s19] =	ssyncset.done $0x0  }
0x37: {  	[sflag:s19] =	ssyncadd.s32 $0xFFFFEE00  }
0x38: {  	[spmem:s14] =	stream.linear.scatter [tilespmem:s18], [sflag:$0x3], $0x1200, $0x38;
	[tilespmem:$0x1F200] =	vst v63  }
0x39: {  	_ =	swait.ge [sflag:s19], $0x1200  }
0x3a: {  	[sflag:s19] =	ssyncset.done $0x0  }
0x3b: {  	[sflag:s19] =	ssyncadd.s32 $0xFFFFEE00  }
0x3c: {  	[spmem:s15] =	stream.linear.scatter [tilespmem:s18], [sflag:$0x3], $0x1200, $0x38;
	[tilespmem:$0x1F200] =	vst v63  }
0x3d: {  	_ =	swait.ge [sflag:s19], $0x1200  }
0x3e: {  	[sflag:s19] =	ssyncset.done $0x0  }
0x3f: {  	[sflag:s19] =	ssyncadd.s32 $0xFFFFEE00  }
0x40: {  	[spmem:s16] =	stream.linear.scatter [tilespmem:s18], [sflag:$0x3], $0x1200, $0x38;
	[tilespmem:$0x1F200] =	vst v63  }
0x41: {  	_ =	swait.ge [sflag:s19], $0x1200  }
0x42: {  	[sflag:s19] =	ssyncset.done $0x0  }
0x43: {  	[sflag:s19] =	ssyncadd.s32 $0xFFFFEE00  }
0x44: {  	[spmem:s17] =	stream.linear.scatter [tilespmem:s18], [sflag:$0x3], $0x1200, $0x38;
	[tilespmem:$0x1F200] =	vst v63  }
0x45: {  	_ =	swait.ge [sflag:s19], $0x1200  }
0x46: {  	[sflag:s19] =	ssyncset.done $0x0  }
0x47: {  	[sflag:s19] =	ssyncadd.s32 $0xFFFFEE00  }
0x48: {  	[tilespmem:s3], [sflag:$0x3] =	stream.linear.gather [hbm4b:s5+s3], $0x7D00, $0x38;
	[tilespmem:$0x1F200] =	vst v63  }
0x49: {  	_ =	swait.ge [sflag:s19], $0x7D00  }
0x4a: {  	[sflag:s19] =	ssyncset.done $0x0  }
0x4b: {  	s26 =	simm.s32 $0x8000;
	[sflag:s19] =	ssyncadd.s32 $0xFFFF8300  }
0x4c: {  	[tilespmem:s26], [sflag:$0x3] =	stream.linear.gather [hbm4b:s6+s3], $0x7D00, $0x38;
	[tilespmem:$0x1F200] =	vst v63  }
0x4d: {  	_ =	swait.ge [sflag:s19], $0x7D00  }
0x4e: {  	[sflag:s19] =	ssyncset.done $0x0  }
0x4f: {  	s31 =	simm.s32 $0x40;
	[sflag:s19] =	ssyncadd.s32 $0xFFFF8300  }
0x50: {  	v4 =	vld [tilespmem:s31+$0x7FC0]  }
0x51: {  	v5 =	vld [tilespmem:s31+$0x7FD0]  }
0x52: {  	v3 =	vld [tilespmem:s31+$0x7FE0]  }
0x53: {  	s0 =	simm.s32 $0x300;
	v2 =	vld [tilespmem:s31+$0x7FF0]  }
.LBB2_4:
0x54: {  	p0 =	sne.s32 s0, $0x1F300;
	v6 =	vld [tilespmem:s31+$0x8000]  }
0x55: {  	v4 =	vadd.s32 v0, v4  }
0x56: {  	v4 =	vmin.u32 v4, $0x1400;
	v5 =	vadd.s32 v0, v5  }
.Ltmp1:
0x57: {  	s20 =	sshra.s32 s0, $0x2;
	[tilespmem:s31+$0x7FC0] =	vst v4;
	v5 =	vmin.u32 v5, $0x1400;
	v3 =	vadd.s32 v0, v3;
	(pc) =	sbr.rel @p0 .LBB2_4-.Ltmp1, $4  }
0x58: {  	v4 =	vld [tilespmem:s20+$0x7FC0];
	[tilespmem:s31+$0x7FD0] =	vst v5;
	v3 =	vmin.u32 v3, $0x1400;
	v2 =	vadd.s32 v0, v2  }
0x59: {  	v5 =	vld [tilespmem:s20+$0x7FD0];
	[tilespmem:s31+$0x7FE0] =	vst v3;
	v2 =	vmin.u32 v2, $0x1400;
	v6 =	vadd.s32 v0, v6  }
0x5a: {  	v3 =	vld [tilespmem:s20+$0x7FE0];
	[tilespmem:s31+$0x7FF0] =	vst v2;
	v6 =	vmin.u32 v6, $0x1400  }
0x5b: {  	s0 =	sadd.s32 $0x200, s0;
	v2 =	vld [tilespmem:s20+$0x7FF0];
	[tilespmem:s31+$0x8000] =	vst v6;
	s31 =	smov.u32 s20  }
0x5c: {  	v6 =	vld [tilespmem:s31+$0x8000]  }
0x5d: {  	v4 =	vadd.s32 v0, v4  }
0x5e: {  	v4 =	vmin.u32 v4, $0x1400;
	v5 =	vadd.s32 v0, v5  }
0x5f: {  	[tilespmem:s31+$0x7FC0] =	vst v4;
	v63 =	vmin.u32 v5, $0x1400;
	v3 =	vadd.s32 v0, v3  }
0x60: {  	[tilespmem:s31+$0x7FD0] =	vst v63;
	v3 =	vmin.u32 v3, $0x1400;
	v2 =	vadd.s32 v0, v2  }
0x61: {  	[tilespmem:s31+$0x7FE0] =	vst v3;
	v2 =	vmin.u32 v2, $0x1400;
	v3 =	vadd.s32 v0, v6  }
0x62: {  	[tilespmem:s31+$0x7FF0] =	vst v2;
	v2 =	vmin.u32 v3, $0x1400  }
0x63: {  	[tilespmem:s31+$0x8000] =	vst v2  }
0x64: {  	s0 =	simm.s32 $0x0;
	[bflag:$0x0] =	sbarrier.arrive $0xFFFF  }
0x65: {  	[tilespmem:s18], [sflag:$0x1] =	stream.indirect.gather [hbm4b:s4+s21], $0x80, s0, s21, $0xb8;
	[tilespmem:$0x1F200] =	vst v63  }
0x66: {  	s26 =	simm.s32 $0x80  }
0x67: {  	[tilespmem:s22], [sflag:$0x2] =	stream.indirect.gather [hbm4b:s4+s21], $0x80, s26, s21, $0xb8;
	[tilespmem:$0x1F200] =	vst v63  }
0x68: {  	_ =	swait.ge [sflag:s23], $0x2800  }
0x69: {  	[sflag:s23] =	ssyncset.done $0x0  }
0x6a: {  	s2 =	simm.s32 $0x8000;
	[sflag:s23] =	ssyncadd.s32 $0xFFFFD800  }
0x6b: {  	[spmem:s1] =	stream.indirect.scatter.add.f32 [tilespmem:s18], [sflag:$0x3], $0x80, s2, s21, $0xb8;
	[tilespmem:$0x1F200] =	vst v63  }
0x6c: {  	_ =	swait.ge [sflag:s19], $0x2800  }
0x6d: {  	[sflag:s19] =	ssyncset.done $0x0  }
0x6e: {  	s20 =	simm.s32 $0x100;
	[sflag:s19] =	ssyncadd.s32 $0xFFFFD800  }
0x6f: {  	[tilespmem:s18], [sflag:$0x1] =	stream.indirect.gather [hbm4b:s4+s21], $0x80, s20, s21, $0xb8;
	[tilespmem:$0x1F200] =	vst v63  }
0x70: {  	_ =	swait.ge [sflag:s25], $0x2800  }
0x71: {  	[sflag:s25] =	ssyncset.done $0x0  }
0x72: {  	s26 =	simm.s32 $0x8080;
	[sflag:s25] =	ssyncadd.s32 $0xFFFFD800  }
0x73: {  	[spmem:s1] =	stream.indirect.scatter.add.f32 [tilespmem:s22], [sflag:$0x3], $0x80, s26, s21, $0xb8;
	[tilespmem:$0x1F200] =	vst v63  }
0x74: {  	_ =	swait.ge [sflag:s19], $0x2800  }
0x75: {  	s31 =	simm.s32 $0x100;
	s0 =	simm.s32 $0x800;
	[sflag:s19] =	ssyncset.done $0x0  }
.LBB2_6:
0x76: {  	s20 =	sadd.s32 $0x80, s31  }
0x77: {  	[sflag:s19] =	ssyncadd.s32 $0xFFFFD800;
	s2 =	smov.u32 s0;
	s26 =	sadd.s32 $0x400, s0  }
0x78: {  	[tilespmem:s22], [sflag:$0x2] =	stream.indirect.gather [hbm4b:s4+s21], $0x80, s20, s21, $0xb8;
	[tilespmem:$0x1F200] =	vst v63  }
0x79: {  	p0 =	sne.s32 s0, $0x1EC00;
	_ =	swait.ge [sflag:s23], $0x2800  }
0x7a: {  	[sflag:s23] =	ssyncset.done $0x0  }
0x7b: {  	s0 =	sadd.s32 $0x8000, s31;
	[sflag:s23] =	ssyncadd.s32 $0xFFFFD800  }
0x7c: {  	[spmem:s1] =	stream.indirect.scatter.add.f32 [tilespmem:s18], [sflag:$0x3], $0x80, s0, s21, $0xb8;
	[tilespmem:$0x1F200] =	vst v63  }
0x7d: {  	_ =	swait.ge [sflag:s19], $0x2800  }
0x7e: {  	[sflag:s19] =	ssyncset.done $0x0  }
0x7f: {  	s0 =	sadd.s32 $0x100, s31;
	[sflag:s19] =	ssyncadd.s32 $0xFFFFD800  }
0x80: {  	[tilespmem:s18], [sflag:$0x1] =	stream.indirect.gather [hbm4b:s4+s21], $0x80, s0, s21, $0xb8;
	[tilespmem:$0x1F200] =	vst v63  }
0x81: {  	_ =	swait.ge [sflag:s25], $0x2800  }
.Ltmp2:
0x82: {  	[sflag:s25] =	ssyncset.done $0x0;
	(pc) =	sbr.rel @p0 .LBB2_6-.Ltmp2, $4  }
0x83: {  	s0 =	sadd.s32 $0x8080, s31;
	[sflag:s25] =	ssyncadd.s32 $0xFFFFD800  }
0x84: {  	[spmem:s1] =	stream.indirect.scatter.add.f32 [tilespmem:s22], [sflag:$0x3], $0x80, s0, s21, $0xb8;
	[tilespmem:$0x1F200] =	vst v63  }
0x85: {  	_ =	swait.ge [sflag:s19], $0x2800  }
0x86: {  	s31 =	sshra.s32 s2, $0x2;
	s0 =	smov.u32 s26;
	[sflag:s19] =	ssyncset.done $0x0  }
0x87: {  	s0 =	sadd.s32 $0x80, s31;
	[sflag:s19] =	ssyncadd.s32 $0xFFFFD800  }
0x88: {  	[tilespmem:s22], [sflag:$0x2] =	stream.indirect.gather [hbm4b:s4+s21], $0x80, s0, s21, $0xb8;
	[tilespmem:$0x1F200] =	vst v63  }
0x89: {  	_ =	swait.ge [sflag:s23], $0x2800  }
0x8a: {  	[sflag:s23] =	ssyncset.done $0x0  }
0x8b: {  	s26 =	sadd.s32 $0x8000, s31;
	[sflag:s23] =	ssyncadd.s32 $0xFFFFD800  }
0x8c: {  	[spmem:s1] =	stream.indirect.scatter.add.f32 [tilespmem:s18], [sflag:$0x3], $0x80, s26, s21, $0xb8;
	[tilespmem:$0x1F200] =	vst v63  }
0x8d: {  	_ =	swait.ge [sflag:s19], $0x2800  }
0x8e: {  	[sflag:s19] =	ssyncset.done $0x0  }
0x8f: {  	s2 =	sadd.s32 $0x100, s31;
	[sflag:s19] =	ssyncadd.s32 $0xFFFFD800  }
0x90: {  	[tilespmem:s18], [sflag:$0x1] =	stream.indirect.gather [hbm4b:s4+s21], $0x80, s2, s21, $0xb8;
	[tilespmem:$0x1F200] =	vst v63  }
0x91: {  	_ =	swait.ge [sflag:s25], $0x2800  }
0x92: {  	[sflag:s25] =	ssyncset.done $0x0  }
0x93: {  	s20 =	sadd.s32 $0x8080, s31;
	[sflag:s25] =	ssyncadd.s32 $0xFFFFD800  }
0x94: {  	[spmem:s1] =	stream.indirect.scatter.add.f32 [tilespmem:s22], [sflag:$0x3], $0x80, s20, s21, $0xb8;
	[tilespmem:$0x1F200] =	vst v63  }
0x95: {  	_ =	swait.ge [sflag:s19], $0x2800  }
0x96: {  	[sflag:s19] =	ssyncset.done $0x0  }
0x97: {  	s26 =	simm.s32 $0x7C80;
	[sflag:s19] =	ssyncadd.s32 $0xFFFFD800  }
0x98: {  	[tilespmem:s22], [sflag:$0x2] =	stream.indirect.gather [hbm4b:s4+s21], $0x80, s26, s21, $0xb8;
	[tilespmem:$0x1F200] =	vst v63  }
0x99: {  	_ =	swait.ge [sflag:s23], $0x2800  }
0x9a: {  	[sflag:s23] =	ssyncset.done $0x0  }
0x9b: {  	[sflag:s23] =	ssyncadd.s32 $0xFFFFD800  }
0x9c: {  	[spmem:s1] =	stream.indirect.scatter.add.f32 [tilespmem:s18], [sflag:$0x3], $0x80, s28, s21, $0xb8;
	[tilespmem:$0x1F200] =	vst v63  }
0x9d: {  	_ =	swait.ge [sflag:s19], $0x2800  }
0x9e: {  	[sflag:s19] =	ssyncset.done $0x0  }
0x9f: {  	[sflag:s19] =	ssyncadd.s32 $0xFFFFD800  }
0xa0: {  	_ =	swait.ge [sflag:s25], $0x2800  }
0xa1: {  	[sflag:s25] =	ssyncset.done $0x0  }
0xa2: {  	[sflag:s25] =	ssyncadd.s32 $0xFFFFD800  }
0xa3: {  	[spmem:s1] =	stream.indirect.scatter.add.f32 [tilespmem:s22], [sflag:$0x3], $0x80, s29, s21, $0xb8;
	[tilespmem:$0x1F200] =	vst v63  }
0xa4: {  	_ =	swait.ge [sflag:s19], $0x2800  }
0xa5: {  	s31 =	stileid.u32;
	s30 =	sadd.s32 $0x1, s30;
	[sflag:s19] =	ssyncset.done $0x0  }
0xa6: {  	s0 =	sshll.u32 s31, $0x6;
	p0 =	sne.s32 s30, s9;
	[sflag:s19] =	ssyncadd.s32 $0xFFFFD800  }
.Ltmp3:
0xa7: {  	s0 =	sor.u32 $0x1C03, s0;
	[bflag:$0x0] =	sbarrier.arrive $0xFFFF;
	(pc) =	sbr.rel @p0 .LBB2_1-.Ltmp3, $4  }
0xa8: {  	[hbm:s7], [sflag:s0] =	dma.local [spmem:s24], $0x1400  }
0xa9: {  	_ =	swait.ge [sflag:s19], $0x1400  }
0xaa: {  	[sflag:s19] =	ssyncset.done $0x0  }
0xab: {  	[sflag:s19] =	ssyncadd.s32 $0xFFFFEC00  }
0xac: {  	_ =	sfence.sel $0x180000  }
0xad: {  	[bflag:$0x0] =	sbarrier.arrive $0xFFFF  }
0xae: {  	_ =	strace $0x9000004A  }
0xaf: {  	s0 =	stileid.u32;
	[bflag:$0x2] =	sbarrier.arrive $0xFFFF  }
0xb0: {  	p0 =	sne.s32 s0, $0x0;
	s0 =	rddreg [dreg:$0x3]  }
0xb1: {  	s0 =	sadd.s32 @!p0 $0x100000, s0  }
0xb2: {  	[sflag:s0] =	ssyncadd.tile.s32 @!p0 $0x1;
	_ =	shalt  }
.Lfunc_end2:
_tile_overlayer_lowered:
.L_overlay_start_2:
0xb3: {  	(tag) =	ssettag $0x2  }
0xb4: {  	s0 =	rddreg [dreg:$0x0];
	s2 =	stileid.u32  }
0xb5: {  	s1 =	rddreg [dreg:$0x1];
	p0 =	sne.s32 s2, $0x0  }
0xb6: {  	s3 =	rddreg [dreg:$0x2];
	[bflag:$0x3] =	sbarrier.arrive $0xFFFF;
	s2 =	simm.s32 @!p0 $0x1C03  }
0xb7: {  	[timem:s3], [sflag:s2] =	dma.local @!p0 [hbm:s0], s1  }
0xb8: {  	s0 =	simm.s32 @!p0 $0x3  }
0xb9: {  	_ =	swait.ge @!p0 [sflag:s0], s1  }
0xba: {  	s1 =	ssub.s32 @!p0 $0x0, s1;
	[sflag:s0] =	ssyncset.done @!p0 $0x0  }
0xbb: {  	[sflag:s0] =	ssyncadd.s32 @!p0 s1  }
0xbc: {  	[bflag:$0x3] =	sbarrier.arrive $0xFFFF  }
0xbd: {  	_ =	shalt  }

// kernel: kernel.15.cloned.1.call-start
scs
__scs_entry_jumppad:
0x0: {  	(pc) =	sbr.rel $0x88, $3  }
0x1: {  	(tag) =	ssettag $0x0;
	lr =	simm.s32 $0x1  }
0x2: {  	[smem:$0x3F9A] =	sst lr;
	_ =	strace $0xD0000000  }
0x3: {  	_ = 	snop  }
0x4: {  	_ = 	snop  }
0x5: {  	_ = 	snop  }
0x6: {  	_ = 	snop  }
0x7: {  	_ = 	snop  }
__scs_overlays_trampoline_lowered:
0x8: {  	[smem:$0x3FA9] =	sst s0  }
0x9: {  	[smem:$0x3FAA] =	sst s1  }
0xa: {  	[smem:$0x3FAB] =	sst s2  }
0xb: {  	[smem:$0x3FAC] =	sst s3  }
0xc: {  	[smem:$0x3FAD] =	sst s4  }
0xd: {  	[smem:$0x3FAE] =	sst s5  }
0xe: {  	[smem:$0x3FAF] =	sst s6  }
0xf: {  	[smem:$0x3FB0] =	sst s7  }
0x10: {  	[smem:$0x3FB1] =	sst s8  }
0x11: {  	[smem:$0x3FB2] =	sst s9;
	s0 =	simm.s32 @!p0 $0x0  }
0x12: {  	s1 =	sld [smem:$0x3F98];
	s0 =	simm.s32 @p0 $0x1  }
0x13: {  	[smem:$0x3FB3] =	sst s0;
	s0 =	simm.s32 @!p1 $0x0  }
0x14: {  	s2 =	sld [smem:$0x3F97];
	s0 =	simm.s32 @p1 $0x1  }
0x15: {  	[smem:$0x3FB4] =	sst s0;
	s0 =	simm.s32 @!p2 $0x0  }
0x16: {  	s3 =	sld [smem:$0x3FDB];
	s0 =	simm.s32 @p2 $0x1  }
0x17: {  	s4 =	simm.s32 $0x1BF5;
	[smem:$0x3FB6] =	sst s0  }
0x18: {  	s0 =	sld [smem:$0x3F99];
	_ =	swait.ge [sflag:s4], $0x0  }
0x19: {  	s7 =	sld [smem:$0x3F9A]  }
0x1a: {  	s8 =	sadd.s32 $0xFFFFE003, lr  }
0x1b: {  	s9 =	sadd.s32 $0xFFFFFEF7, lr;
	s5 =	simm.s32 $0xFFFFFFFF;
	p2 =	slt.u32 s8, $0xFFFFF086  }
0x1c: {  	p1 =	slt.u32 s9, $0xF7A;
	s5 =	simm.s32 @!p2 $0x0  }
0x1d: {  	s5 =	simm.s32 @p1 $0x1;
	p0 =	seq.s32 s7, s2  }
0x1e: {  	s7 =	smul.u32 @!p0 $0xF7A, s2;
	p2 =	seq.s32 @!p0 s5, $0x0  }
0x1f: {  	s9 =	smul.u32 $0xF7A, s1;
	s8 =	simm.s32 @!p0 $0x1BF5;
	p2 =	por !p2, p0  }
0x20: {  	[sflag:s8] =	ssyncset.s32 @!p0 $0xFFFFF086;
	s6 =	sadd.s32 @!p0 s3, s7;
	s7 =	simm.s32 @!p0 $0x108  }
0x21: {  	s3 =	sadd.s32 s3, s9;
	s6 =	sadd.s32 @!p0 $0x88, s6;
	s7 =	simm.s32 @p2 $0x1082  }
0x22: {  	[simem:s7], [sflag:s8] =	dma.local @!p0 [hbm:s6], $0xF7A  }
0x23: {  	s9 =	sor.u32 $0xD0000000, s2;
	s6 =	simm.s32 $0x108;
	_ =	swait.ge @!p0 [sflag:s8], $0x0  }
0x24: {  	s3 =	sadd.s32 $0x88, s3;
	s6 =	simm.s32 @!p1 $0x1082;
	[sflag:s4] =	ssyncset.s32 $0xFFFFF086  }
0x25: {  	[simem:s6], [sflag:s4] =	dma.local [hbm:s3], $0xF7A  }
0x26: {  	[smem:$0x3F9A] =	sst s1;
	(tag) =	ssettag s2;
	_ =	strace s9  }
0x27: {  	s1 =	sld [smem:$0x3FAA]  }
0x28: {  	s2 =	sld [smem:$0x3FAB]  }
0x29: {  	s4 =	sld [smem:$0x3FAD]  }
0x2a: {  	p0 =	seq.s32 s5, $0x0;
	s5 =	sld [smem:$0x3FAE]  }
0x2b: {  	s6 =	sld [smem:$0x3FAF]  }
0x2c: {  	s7 =	sld [smem:$0x3FB0]  }
0x2d: {  	s3 =	simm.s32 $0x108;
	s8 =	sld [smem:$0x3FB1]  }
0x2e: {  	s3 =	simm.s32 @!p0 $0x1082;
	s9 =	sld [smem:$0x3FB2]  }
0x2f: {  	lr =	sadd.s32 s0, s3;
	s0 =	sld [smem:$0x3FA9]  }
0x30: {  	s3 =	sld [smem:$0x3FAC]  }
0x31: {  	[smem:$0x3FB5] =	sst s10  }
0x32: {  	s10 =	sld [smem:$0x3FB3];
	_ =	sdelay $0x3  }
0x33: {  	p0 =	seq.s32 s10, $0x1;
	s10 =	sld [smem:$0x3FB5];
	_ =	sdelay $0x3  }
0x34: {  	[smem:$0x3FB5] =	sst s10  }
0x35: {  	s10 =	sld [smem:$0x3FB4];
	_ =	sdelay $0x3  }
0x36: {  	p1 =	seq.s32 s10, $0x1;
	s10 =	sld [smem:$0x3FB5];
	_ =	sdelay $0x3  }
0x37: {  	[smem:$0x3FB5] =	sst s10  }
0x38: {  	s10 =	sld [smem:$0x3FB6]  }
0x39: {  	_ = 	snop;
	(pc) =	sbr.ind lr, $3  }
0x3a: {  	_ = 	snop  }
0x3b: {  	_ = 	snop  }
0x3c: {  	p2 =	seq.s32 s10, $0x1;
	s10 =	sld [smem:$0x3FB5]  }
0x3d: {  	_ =	shalt  }
0x3e: {  	_ =	shalt  }
0x3f: {  	_ =	shalt  }
0x40: {  	_ =	shalt  }
0x41: {  	_ =	shalt  }
0x42: {  	_ =	shalt  }
0x43: {  	_ =	shalt  }
0x44: {  	_ =	shalt  }
0x45: {  	_ =	shalt  }
0x46: {  	_ =	shalt  }
0x47: {  	_ =	shalt  }
0x48: {  	_ =	shalt  }
0x49: {  	_ =	shalt  }
0x4a: {  	_ =	shalt  }
0x4b: {  	_ =	shalt  }
0x4c: {  	_ =	shalt  }
0x4d: {  	_ =	shalt  }
0x4e: {  	_ =	shalt  }
0x4f: {  	_ =	shalt  }
0x50: {  	_ =	shalt  }
0x51: {  	_ =	shalt  }
0x52: {  	_ =	shalt  }
0x53: {  	_ =	shalt  }
0x54: {  	_ =	shalt  }
0x55: {  	_ =	shalt  }
0x56: {  	_ =	shalt  }
0x57: {  	_ =	shalt  }
0x58: {  	_ =	shalt  }
0x59: {  	_ =	shalt  }
0x5a: {  	_ =	shalt  }
0x5b: {  	_ =	shalt  }
0x5c: {  	_ =	shalt  }
0x5d: {  	_ =	shalt  }
0x5e: {  	_ =	shalt  }
0x5f: {  	_ =	shalt  }
0x60: {  	_ =	shalt  }
0x61: {  	_ =	shalt  }
0x62: {  	_ =	shalt  }
0x63: {  	_ =	shalt  }
0x64: {  	_ =	shalt  }
0x65: {  	_ =	shalt  }
0x66: {  	_ =	shalt  }
0x67: {  	_ =	shalt  }
0x68: {  	_ =	shalt  }
0x69: {  	_ =	shalt  }
0x6a: {  	_ =	shalt  }
0x6b: {  	_ =	shalt  }
0x6c: {  	_ =	shalt  }
0x6d: {  	_ =	shalt  }
0x6e: {  	_ =	shalt  }
0x6f: {  	_ =	shalt  }
0x70: {  	_ =	shalt  }
0x71: {  	_ =	shalt  }
0x72: {  	_ =	shalt  }
0x73: {  	_ =	shalt  }
0x74: {  	_ =	shalt  }
0x75: {  	_ =	shalt  }
0x76: {  	_ =	shalt  }
0x77: {  	_ =	shalt  }
0x78: {  	_ =	shalt  }
0x79: {  	_ =	shalt  }
0x7a: {  	_ =	shalt  }
0x7b: {  	_ =	shalt  }
0x7c: {  	_ =	shalt  }
0x7d: {  	_ =	shalt  }
0x7e: {  	_ =	shalt  }
0x7f: {  	_ =	shalt  }
0x80: {  	_ =	shalt  }
0x81: {  	_ =	shalt  }
0x82: {  	_ =	shalt  }
0x83: {  	_ =	shalt  }
0x84: {  	_ =	shalt  }
0x85: {  	_ =	shalt  }
0x86: {  	_ =	shalt  }
0x87: {  	_ =	shalt  }
.Lfunc_end0:
.L_simem_size_0:
called_computation.2_lowered:
.L_overlay_start_0:
0x88: {  	s2 =	sld [smem:$0x3FD9]  }
0x89: {  	s3 =	sld [smem:$0x3FFE];
	_ =	sdelay $0x1  }
0x8a: {  	s1 =	srdreg.scid  }
0x8b: {  	s0 =	sand.u32 $0x1, s1  }
0x8c: {  	s14 =	sshll.u32 s0, $0xA;
	s2 =	sadd.s32 s3, s2  }
0x8d: {  	s2 =	sadd.s32 s2, s14  }
0x8e: {  	[smem:$0x3FC1] =	sst s2  }
0x8f: {  	_ = 	snop  }
0x90: {  	s2 =	sld [smem:$0x3FD0];
	_ =	sdelay $0x2  }
0x91: {  	s15 =	simm.s32 $0xA;
	s4 =	simm.s32 $0x10  }
0x92: {  	[smem:s4], [sflag:s15] =	dma.local [hbm:s2], $0x1  }
0x93: {  	_ =	swait.eq [sflag:s15], $0x1  }
0x94: {  	[sflag:s15] =	ssyncset.done $0x0  }
0x95: {  	[sflag:s15] =	ssyncadd.s32 $0xFFFFFFFF  }
0x96: {  	s16 =	sld [smem:$0x10];
	(tm) =	ssettm $0x1  }
0x97: {  	s17 =	sld [smem:$0x3FFB];
	_ =	sdelay $0x3  }
0x98: {  	_ =	strace s17  }
0x99: {  	s3 =	sld [smem:$0x3FFC];
	_ =	sdelay $0x3  }
0x9a: {  	_ =	strace s3  }
0x9b: {  	s3 =	sld [smem:$0x3FFD];
	_ =	sdelay $0x3  }
0x9c: {  	_ =	strace s3  }
0x9d: {  	_ =	strace $0x8FFFFFFF  }
0x9e: {  	s18 =	sld [smem:$0x3FDB];
	_ =	sdelay $0x1  }
0x9f: {  	s19 =	simm.s32 $_scs_section_size  }
0xa0: {  	s5 =	simm.s32 $_size__tile_overlayer_lowered;
	s6 =	simm.s32 $_tile_overlayer_lowered  }
0xa1: {  	s22 =	simm.s32 $0x1BFF;
	s21 =	sshll.u32 s6, $0x1;
	s3 =	sadd.s32 s19, s18  }
0xa2: {  	s7 =	simm.s32 $0x0;
	s20 =	sshll.u32 s5, $0x1;
	s5 =	sadd.s32 s21, s3  }
0xa3: {  	[timem:s7], [sflag:s22] =	dma.local [hbm:s5], s20  }
0xa4: {  	_ =	swait.ge [sflag:s22], s20  }
0xa5: {  	s4 =	ssub.s32 $0x0, s20;
	[sflag:s22] =	ssyncset.done $0x0  }
0xa6: {  	[sflag:s22] =	ssyncadd.s32 s4;
	_ =	sdelay $0x1  }
0xa7: {  	s23 =	simm.s32 $0x1B8B  }
0xa8: {  	_ =	swait.ge [sflag:s23], $0x1  }
0xa9: {  	[sflag:s23] =	ssyncset.done $0x0  }
0xaa: {  	s25 =	simm.s32 $0x1B8E;
	s24 =	sld [smem:$0x3FFE];
	[sflag:s23] =	ssyncadd.s32 $0xFFFFFFFF  }
0xab: {  	s26 =	simm.s32 $execute0_lowered;
	[smem:$0x3FD2] =	sst s25  }
0xac: {  	s5 =	sshll.u32 s26, $0x1;
	_ =	strace $0x8000004C;
	[dreg:$0x1] =	wrdreg $0xFFFFFFFF  }
0xad: {  	s28 =	simm.s32 $_size_execute0_lowered;
	s3 =	sadd.s32 s3, s5;
	[dreg:$0x0] =	wrdreg $0x0  }
0xae: {  	s5 =	sshll.u32 s28, $0x1;
	[dreg:$0x2] =	wrdreg s3  }
0xaf: {  	[dreg:$0x3] =	wrdreg s5  }
0xb0: {  	[dreg:$0x4] =	wrdreg $0xC0  }
0xb1: {  	_ =	task [dreg:s7], $0x5FFFF  }
0xb2: {  	[dreg:$0x1] =	wrdreg $0xFFFFFFFF  }
0xb3: {  	[dreg:$0x0] =	wrdreg $0x60  }
0xb4: {  	[dreg:$0x2] =	wrdreg s24  }
0xb5: {  	[dreg:$0x3] =	wrdreg s16  }
0xb6: {  	[dreg:$0x4] =	wrdreg $0x150000  }
0xb7: {  	[dreg:$0x5] =	wrdreg $0x9  }
0xb8: {  	_ =	task.clear_ibuf [dreg:s7], $0x6FFFF;
	_ =	strace $0x9000004C  }
0xb9: {  	s29 =	simm.s32 $0x9;
	_ =	strace $0x8000004E  }
0xba: {  	_ =	swait.ge [sflag:s29], $0x1  }
0xbb: {  	[sflag:s29] =	ssyncadd.s32 $0xFFFFFFFF  }
0xbc: {  	_ =	strace $0x9000004E  }
0xbd: {  	_ =	sfence  }
0xbe: {  	s30 =	sld [smem:$0x0];
	_ =	sdelay $0x2  }
0xbf: {  	s31 =	sshll.u32 s1, $0xD;
	s1 =	sshrl.u32 s1, $0x2  }
0xc0: {  	s3 =	sand.u32 $0x4000, s31;
	s1 =	sadd.s32 s1, s30  }
0xc1: {  	s0 =	sor.u32 s3, s0;
	s1 =	sshll.u32 s1, $0x11  }
0xc2: {  	s0 =	sor.u32 s1, s0  }
0xc3: {  	s0 =	sadd.s32 $0x8F2B, s0  }
0xc4: {  	[sflag:s0] =	ssyncadd.remote.s32 $0x1  }
0xc5: {  	_ =	sfence.sel $0xFFFF  }
0xc6: {  	[dreg:$0x0] =	wrdreg $0xFFFFFFFF;
	(pc) =	sbr.abs _section_cstart, $3  }
0xc7: {  	[dreg:$0x1] =	wrdreg $0xFFFFFFFF  }
0xc8: {  	_ =	task.clear_ibuf [dreg:s7], $0x2FFFF;
	_ =	strace $0x9FFFFFFF  }
0xc9: {  	(tm) =	ssettm $0x7FFFFFFF  }
tec
execute0_lowered:
.L_overlay_start_1:
0x0: {  	(tag) =	ssettag $0x1  }
0x1: {  	s0 =	rddreg [dreg:$0x0]  }
0x2: {  	s6 =	rddreg [dreg:$0x1]  }
0x3: {  	s1 =	rddreg [dreg:$0x2];
	s2 =	srdreg.scid  }
0x4: {  	s3 =	simm.s32 $0x0;
	s22 =	stileid.u32;
	s18 =	simm.s32 $0x10000  }
0x5: {  	s19 =	simm.s32 $0x3;
	s21 =	simm.s32 $0x50;
	s29 =	simm.s32 $0xFC80  }
0x6: {  	s30 =	simm.s32 $0x0;
	s5 =	sand.u32 $0x1, s2;
	s8 =	smul.u32 $0xA000, s22  }
0x7: {  	[smem:$0x7FF] =	sst s3;
	s9 =	sshll.u32 s22, $0xC;
	s11 =	smul.u32 $0x28000, s22  }
0x8: {  	s4 =	sadd.s32 $0x2800, s0;
	s12 =	smul.u32 $0x28800, s22;
	s22 =	simm.s32 $0x12800  }
0x9: {  	s7 =	smul.u32 $0xA0000, s5;
	_ =	strace $0x8000004D;
	s10 =	sadd.s32 s9, s0  }
0xa: {  	s23 =	ssub.s32 $0x2, s5;
	s28 =	smul.u32 $0xFFFFEC00, s5;
	s6 =	sadd.s32 s6, s9  }
0xb: {  	s24 =	sshrl.u32 s23, $0x1;
	s5 =	sadd.s32 $0x2A800, s10;
	s25 =	sshrl.u32 s11, $0x2  }
0xc: {  	s26 =	sshrl.u32 s12, $0x2;
	s7 =	sadd.s32 s8, s7;
	s13 =	ssub.s32 s23, s24  }
0xd: {  	s31 =	sadd.s32 s25, s1;
	s8 =	sadd.s32 s26, s1;
	s23 =	simm.s32 $0x1  }
0xe: {  	s25 =	simm.s32 $0x2;
	v0 =	vmov s28;
	s28 =	simm.s32 $0xFC00;
	s7 =	sshrl.u32 s7, $0x3  }
0xf: {  	s9 =	smax.u32 s13, $0x1;
	s10 =	sadd.s32 $0x1200, s8;
	s11 =	sadd.s32 $0x2400, s8  }
0x10: {  	s12 =	sadd.s32 $0x3600, s8;
	s13 =	sadd.s32 $0x4800, s8;
	s14 =	sadd.s32 $0x5A00, s8  }
0x11: {  	s15 =	sadd.s32 $0x6C00, s8;
	s16 =	sadd.s32 $0x7E00, s8;
	s0 =	sadd.s32 s7, s0  }
0x12: {  	v1 =	vimm.f32 $0.0e+00;
	s17 =	sadd.s32 $0x9000, s8;
	s24 =	sshrl.u32 s31, $0x3;
	s7 =	sadd.s32 $0x3A800, s0  }
.LBB2_1:
0x13: {  	s0 =	simm.s32 $0x70;
	s31 =	simm.s32 $0x3C0  }
.LBB2_2:
0x14: {  	p0 =	sne.s32 s31, $0x9FC0;
	[tilespmem:s0+$0x10000] =	vst v1  }
0x15: {  	[tilespmem:s0+$0xFF90] =	vst v1  }
0x16: {  	[tilespmem:s0+$0xFFA0] =	vst v1  }
.Ltmp0:
0x17: {  	[tilespmem:s0+$0xFFB0] =	vst v1;
	(pc) =	sbr.rel @p0 .LBB2_2-.Ltmp0, $4  }
0x18: {  	[tilespmem:s0+$0xFFC0] =	vst v1  }
0x19: {  	[tilespmem:s0+$0xFFD0] =	vst v1  }
0x1a: {  	[tilespmem:s0+$0xFFE0] =	vst v1  }
0x1b: {  	[tilespmem:s0+$0xFFF0] =	vst v1;
	s0 =	sshra.s32 s31, $0x2;
	s31 =	sadd.s32 $0x200, s31  }
0x1c: {  	[tilespmem:s0+$0x10000] =	vst v1  }
0x1d: {  	[tilespmem:s0+$0xFF90] =	vst v1  }
0x1e: {  	[tilespmem:s0+$0xFFA0] =	vst v1  }
0x1f: {  	[tilespmem:s0+$0xFFB0] =	vst v1  }
0x20: {  	[tilespmem:s0+$0xFFC0] =	vst v1  }
0x21: {  	[tilespmem:s0+$0xFFD0] =	vst v1  }
0x22: {  	[tilespmem:s0+$0xFFE0] =	vst v1  }
0x23: {  	[tilespmem:s0+$0xFFF0] =	vst v1  }
0x24: {  	[spmem:s8] =	stream.linear.scatter [tilespmem:s18], [sflag:$0x3], $0x1200, $0x38;
	[tilespmem:$0x1F200] =	vst v63  }
0x25: {  	_ =	swait.ge [sflag:s19], $0x1200  }
0x26: {  	[sflag:s19] =	ssyncset.done $0x0  }
0x27: {  	[sflag:s19] =	ssyncadd.s32 $0xFFFFEE00  }
0x28: {  	[spmem:s10] =	stream.linear.scatter [tilespmem:s18], [sflag:$0x3], $0x1200, $0x38;
	[tilespmem:$0x1F200] =	vst v63  }
0x29: {  	_ =	swait.ge [sflag:s19], $0x1200  }
0x2a: {  	[sflag:s19] =	ssyncset.done $0x0  }
0x2b: {  	[sflag:s19] =	ssyncadd.s32 $0xFFFFEE00  }
0x2c: {  	[spmem:s11] =	stream.linear.scatter [tilespmem:s18], [sflag:$0x3], $0x1200, $0x38;
	[tilespmem:$0x1F200] =	vst v63  }
0x2d: {  	_ =	swait.ge [sflag:s19], $0x1200  }
0x2e: {  	[sflag:s19] =	ssyncset.done $0x0  }
0x2f: {  	[sflag:s19] =	ssyncadd.s32 $0xFFFFEE00  }
0x30: {  	[spmem:s12] =	stream.linear.scatter [tilespmem:s18], [sflag:$0x3], $0x1200, $0x38;
	[tilespmem:$0x1F200] =	vst v63  }
0x31: {  	_ =	swait.ge [sflag:s19], $0x1200  }
0x32: {  	[sflag:s19] =	ssyncset.done $0x0  }
0x33: {  	[sflag:s19] =	ssyncadd.s32 $0xFFFFEE00  }
0x34: {  	[spmem:s13] =	stream.linear.scatter [tilespmem:s18], [sflag:$0x3], $0x1200, $0x38;
	[tilespmem:$0x1F200] =	vst v63  }
0x35: {  	_ =	swait.ge [sflag:s19], $0x1200  }
0x36: {  	[sflag:s19] =	ssyncset.done $0x0  }
0x37: {  	[sflag:s19] =	ssyncadd.s32 $0xFFFFEE00  }
0x38: {  	[spmem:s14] =	stream.linear.scatter [tilespmem:s18], [sflag:$0x3], $0x1200, $0x38;
	[tilespmem:$0x1F200] =	vst v63  }
0x39: {  	_ =	swait.ge [sflag:s19], $0x1200  }
0x3a: {  	[sflag:s19] =	ssyncset.done $0x0  }
0x3b: {  	[sflag:s19] =	ssyncadd.s32 $0xFFFFEE00  }
0x3c: {  	[spmem:s15] =	stream.linear.scatter [tilespmem:s18], [sflag:$0x3], $0x1200, $0x38;
	[tilespmem:$0x1F200] =	vst v63  }
0x3d: {  	_ =	swait.ge [sflag:s19], $0x1200  }
0x3e: {  	[sflag:s19] =	ssyncset.done $0x0  }
0x3f: {  	[sflag:s19] =	ssyncadd.s32 $0xFFFFEE00  }
0x40: {  	[spmem:s16] =	stream.linear.scatter [tilespmem:s18], [sflag:$0x3], $0x1200, $0x38;
	[tilespmem:$0x1F200] =	vst v63  }
0x41: {  	_ =	swait.ge [sflag:s19], $0x1200  }
0x42: {  	[sflag:s19] =	ssyncset.done $0x0  }
0x43: {  	[sflag:s19] =	ssyncadd.s32 $0xFFFFEE00  }
0x44: {  	[spmem:s17] =	stream.linear.scatter [tilespmem:s18], [sflag:$0x3], $0x1200, $0x38;
	[tilespmem:$0x1F200] =	vst v63  }
0x45: {  	_ =	swait.ge [sflag:s19], $0x1200  }
0x46: {  	[sflag:s19] =	ssyncset.done $0x0  }
0x47: {  	[sflag:s19] =	ssyncadd.s32 $0xFFFFEE00  }
0x48: {  	[tilespmem:s3], [sflag:$0x3] =	stream.linear.gather [hbm4b:s5+s3], $0x7D00, $0x38;
	[tilespmem:$0x1F200] =	vst v63  }
0x49: {  	_ =	swait.ge [sflag:s19], $0x7D00  }
0x4a: {  	[sflag:s19] =	ssyncset.done $0x0  }
0x4b: {  	s26 =	simm.s32 $0x8000;
	[sflag:s19] =	ssyncadd.s32 $0xFFFF8300  }
0x4c: {  	[tilespmem:s26], [sflag:$0x3] =	stream.linear.gather [hbm4b:s6+s3], $0x7D00, $0x38;
	[tilespmem:$0x1F200] =	vst v63  }
0x4d: {  	_ =	swait.ge [sflag:s19], $0x7D00  }
0x4e: {  	[sflag:s19] =	ssyncset.done $0x0  }
0x4f: {  	s31 =	simm.s32 $0x40;
	[sflag:s19] =	ssyncadd.s32 $0xFFFF8300  }
0x50: {  	v4 =	vld [tilespmem:s31+$0x7FC0]  }
0x51: {  	v5 =	vld [tilespmem:s31+$0x7FD0]  }
0x52: {  	v3 =	vld [tilespmem:s31+$0x7FE0]  }
0x53: {  	s0 =	simm.s32 $0x300;
	v2 =	vld [tilespmem:s31+$0x7FF0]  }
.LBB2_4:
0x54: {  	p0 =	sne.s32 s0, $0x1F300;
	v6 =	vld [tilespmem:s31+$0x8000]  }
0x55: {  	v4 =	vadd.s32 v0, v4  }
0x56: {  	v4 =	vmin.u32 v4, $0x1400;
	v5 =	vadd.s32 v0, v5  }
.Ltmp1:
0x57: {  	s20 =	sshra.s32 s0, $0x2;
	[tilespmem:s31+$0x7FC0] =	vst v4;
	v5 =	vmin.u32 v5, $0x1400;
	v3 =	vadd.s32 v0, v3;
	(pc) =	sbr.rel @p0 .LBB2_4-.Ltmp1, $4  }
0x58: {  	v4 =	vld [tilespmem:s20+$0x7FC0];
	[tilespmem:s31+$0x7FD0] =	vst v5;
	v3 =	vmin.u32 v3, $0x1400;
	v2 =	vadd.s32 v0, v2  }
0x59: {  	v5 =	vld [tilespmem:s20+$0x7FD0];
	[tilespmem:s31+$0x7FE0] =	vst v3;
	v2 =	vmin.u32 v2, $0x1400;
	v6 =	vadd.s32 v0, v6  }
0x5a: {  	v3 =	vld [tilespmem:s20+$0x7FE0];
	[tilespmem:s31+$0x7FF0] =	vst v2;
	v6 =	vmin.u32 v6, $0x1400  }
0x5b: {  	s0 =	sadd.s32 $0x200, s0;
	v2 =	vld [tilespmem:s20+$0x7FF0];
	[tilespmem:s31+$0x8000] =	vst v6;
	s31 =	smov.u32 s20  }
0x5c: {  	v6 =	vld [tilespmem:s31+$0x8000]  }
0x5d: {  	v4 =	vadd.s32 v0, v4  }
0x5e: {  	v4 =	vmin.u32 v4, $0x1400;
	v5 =	vadd.s32 v0, v5  }
0x5f: {  	[tilespmem:s31+$0x7FC0] =	vst v4;
	v63 =	vmin.u32 v5, $0x1400;
	v3 =	vadd.s32 v0, v3  }
0x60: {  	[tilespmem:s31+$0x7FD0] =	vst v63;
	v3 =	vmin.u32 v3, $0x1400;
	v2 =	vadd.s32 v0, v2  }
0x61: {  	[tilespmem:s31+$0x7FE0] =	vst v3;
	v2 =	vmin.u32 v2, $0x1400;
	v3 =	vadd.s32 v0, v6  }
0x62: {  	[tilespmem:s31+$0x7FF0] =	vst v2;
	v2 =	vmin.u32 v3, $0x1400  }
0x63: {  	[tilespmem:s31+$0x8000] =	vst v2  }
0x64: {  	s0 =	simm.s32 $0x0;
	[bflag:$0x0] =	sbarrier.arrive $0xFFFF  }
0x65: {  	[tilespmem:s18], [sflag:$0x1] =	stream.indirect.gather [hbm4b:s4+s21], $0x80, s0, s21, $0xb8;
	[tilespmem:$0x1F200] =	vst v63  }
0x66: {  	s26 =	simm.s32 $0x80  }
0x67: {  	[tilespmem:s22], [sflag:$0x2] =	stream.indirect.gather [hbm4b:s4+s21], $0x80, s26, s21, $0xb8;
	[tilespmem:$0x1F200] =	vst v63  }
0x68: {  	_ =	swait.ge [sflag:s23], $0x2800  }
0x69: {  	[sflag:s23] =	ssyncset.done $0x0  }
0x6a: {  	s2 =	simm.s32 $0x8000;
	[sflag:s23] =	ssyncadd.s32 $0xFFFFD800  }
0x6b: {  	[spmem:s1] =	stream.indirect.scatter.add.f32 [tilespmem:s18], [sflag:$0x3], $0x80, s2, s21, $0xb8;
	[tilespmem:$0x1F200] =	vst v63  }
0x6c: {  	_ =	swait.ge [sflag:s19], $0x2800  }
0x6d: {  	[sflag:s19] =	ssyncset.done $0x0  }
0x6e: {  	s20 =	simm.s32 $0x100;
	[sflag:s19] =	ssyncadd.s32 $0xFFFFD800  }
0x6f: {  	[tilespmem:s18], [sflag:$0x1] =	stream.indirect.gather [hbm4b:s4+s21], $0x80, s20, s21, $0xb8;
	[tilespmem:$0x1F200] =	vst v63  }
0x70: {  	_ =	swait.ge [sflag:s25], $0x2800  }
0x71: {  	[sflag:s25] =	ssyncset.done $0x0  }
0x72: {  	s26 =	simm.s32 $0x8080;
	[sflag:s25] =	ssyncadd.s32 $0xFFFFD800  }
0x73: {  	[spmem:s1] =	stream.indirect.scatter.add.f32 [tilespmem:s22], [sflag:$0x3], $0x80, s26, s21, $0xb8;
	[tilespmem:$0x1F200] =	vst v63  }
0x74: {  	_ =	swait.ge [sflag:s19], $0x2800  }
0x75: {  	s31 =	simm.s32 $0x100;
	s0 =	simm.s32 $0x800;
	[sflag:s19] =	ssyncset.done $0x0  }
.LBB2_6:
0x76: {  	s20 =	sadd.s32 $0x80, s31  }
0x77: {  	[sflag:s19] =	ssyncadd.s32 $0xFFFFD800;
	s2 =	smov.u32 s0;
	s26 =	sadd.s32 $0x400, s0  }
0x78: {  	[tilespmem:s22], [sflag:$0x2] =	stream.indirect.gather [hbm4b:s4+s21], $0x80, s20, s21, $0xb8;
	[tilespmem:$0x1F200] =	vst v63  }
0x79: {  	p0 =	sne.s32 s0, $0x1EC00;
	_ =	swait.ge [sflag:s23], $0x2800  }
0x7a: {  	[sflag:s23] =	ssyncset.done $0x0  }
0x7b: {  	s0 =	sadd.s32 $0x8000, s31;
	[sflag:s23] =	ssyncadd.s32 $0xFFFFD800  }
0x7c: {  	[spmem:s1] =	stream.indirect.scatter.add.f32 [tilespmem:s18], [sflag:$0x3], $0x80, s0, s21, $0xb8;
	[tilespmem:$0x1F200] =	vst v63  }
0x7d: {  	_ =	swait.ge [sflag:s19], $0x2800  }
0x7e: {  	[sflag:s19] =	ssyncset.done $0x0  }
0x7f: {  	s0 =	sadd.s32 $0x100, s31;
	[sflag:s19] =	ssyncadd.s32 $0xFFFFD800  }
0x80: {  	[tilespmem:s18], [sflag:$0x1] =	stream.indirect.gather [hbm4b:s4+s21], $0x80, s0, s21, $0xb8;
	[tilespmem:$0x1F200] =	vst v63  }
0x81: {  	_ =	swait.ge [sflag:s25], $0x2800  }
.Ltmp2:
0x82: {  	[sflag:s25] =	ssyncset.done $0x0;
	(pc) =	sbr.rel @p0 .LBB2_6-.Ltmp2, $4  }
0x83: {  	s0 =	sadd.s32 $0x8080, s31;
	[sflag:s25] =	ssyncadd.s32 $0xFFFFD800  }
0x84: {  	[spmem:s1] =	stream.indirect.scatter.add.f32 [tilespmem:s22], [sflag:$0x3], $0x80, s0, s21, $0xb8;
	[tilespmem:$0x1F200] =	vst v63  }
0x85: {  	_ =	swait.ge [sflag:s19], $0x2800  }
0x86: {  	s31 =	sshra.s32 s2, $0x2;
	s0 =	smov.u32 s26;
	[sflag:s19] =	ssyncset.done $0x0  }
0x87: {  	s0 =	sadd.s32 $0x80, s31;
	[sflag:s19] =	ssyncadd.s32 $0xFFFFD800  }
0x88: {  	[tilespmem:s22], [sflag:$0x2] =	stream.indirect.gather [hbm4b:s4+s21], $0x80, s0, s21, $0xb8;
	[tilespmem:$0x1F200] =	vst v63  }
0x89: {  	_ =	swait.ge [sflag:s23], $0x2800  }
0x8a: {  	[sflag:s23] =	ssyncset.done $0x0  }
0x8b: {  	s26 =	sadd.s32 $0x8000, s31;
	[sflag:s23] =	ssyncadd.s32 $0xFFFFD800  }
0x8c: {  	[spmem:s1] =	stream.indirect.scatter.add.f32 [tilespmem:s18], [sflag:$0x3], $0x80, s26, s21, $0xb8;
	[tilespmem:$0x1F200] =	vst v63  }
0x8d: {  	_ =	swait.ge [sflag:s19], $0x2800  }
0x8e: {  	[sflag:s19] =	ssyncset.done $0x0  }
0x8f: {  	s2 =	sadd.s32 $0x100, s31;
	[sflag:s19] =	ssyncadd.s32 $0xFFFFD800  }
0x90: {  	[tilespmem:s18], [sflag:$0x1] =	stream.indirect.gather [hbm4b:s4+s21], $0x80, s2, s21, $0xb8;
	[tilespmem:$0x1F200] =	vst v63  }
0x91: {  	_ =	swait.ge [sflag:s25], $0x2800  }
0x92: {  	[sflag:s25] =	ssyncset.done $0x0  }
0x93: {  	s20 =	sadd.s32 $0x8080, s31;
	[sflag:s25] =	ssyncadd.s32 $0xFFFFD800  }
0x94: {  	[spmem:s1] =	stream.indirect.scatter.add.f32 [tilespmem:s22], [sflag:$0x3], $0x80, s20, s21, $0xb8;
	[tilespmem:$0x1F200] =	vst v63  }
0x95: {  	_ =	swait.ge [sflag:s19], $0x2800  }
0x96: {  	[sflag:s19] =	ssyncset.done $0x0  }
0x97: {  	s26 =	simm.s32 $0x7C80;
	[sflag:s19] =	ssyncadd.s32 $0xFFFFD800  }
0x98: {  	[tilespmem:s22], [sflag:$0x2] =	stream.indirect.gather [hbm4b:s4+s21], $0x80, s26, s21, $0xb8;
	[tilespmem:$0x1F200] =	vst v63  }
0x99: {  	_ =	swait.ge [sflag:s23], $0x2800  }
0x9a: {  	[sflag:s23] =	ssyncset.done $0x0  }
0x9b: {  	[sflag:s23] =	ssyncadd.s32 $0xFFFFD800  }
0x9c: {  	[spmem:s1] =	stream.indirect.scatter.add.f32 [tilespmem:s18], [sflag:$0x3], $0x80, s28, s21, $0xb8;
	[tilespmem:$0x1F200] =	vst v63  }
0x9d: {  	_ =	swait.ge [sflag:s19], $0x2800  }
0x9e: {  	[sflag:s19] =	ssyncset.done $0x0  }
0x9f: {  	[sflag:s19] =	ssyncadd.s32 $0xFFFFD800  }
0xa0: {  	_ =	swait.ge [sflag:s25], $0x2800  }
0xa1: {  	[sflag:s25] =	ssyncset.done $0x0  }
0xa2: {  	[sflag:s25] =	ssyncadd.s32 $0xFFFFD800  }
0xa3: {  	[spmem:s1] =	stream.indirect.scatter.add.f32 [tilespmem:s22], [sflag:$0x3], $0x80, s29, s21, $0xb8;
	[tilespmem:$0x1F200] =	vst v63  }
0xa4: {  	_ =	swait.ge [sflag:s19], $0x2800  }
0xa5: {  	s31 =	stileid.u32;
	s30 =	sadd.s32 $0x1, s30;
	[sflag:s19] =	ssyncset.done $0x0  }
0xa6: {  	s0 =	sshll.u32 s31, $0x6;
	p0 =	sne.s32 s30, s9;
	[sflag:s19] =	ssyncadd.s32 $0xFFFFD800  }
.Ltmp3:
0xa7: {  	s0 =	sor.u32 $0x1C03, s0;
	[bflag:$0x0] =	sbarrier.arrive $0xFFFF;
	(pc) =	sbr.rel @p0 .LBB2_1-.Ltmp3, $4  }
0xa8: {  	[hbm:s7], [sflag:s0] =	dma.local [spmem:s24], $0x1400  }
0xa9: {  	_ =	swait.ge [sflag:s19], $0x1400  }
0xaa: {  	[sflag:s19] =	ssyncset.done $0x0  }
0xab: {  	[sflag:s19] =	ssyncadd.s32 $0xFFFFEC00  }
0xac: {  	_ =	sfence.sel $0x180000  }
0xad: {  	[bflag:$0x0] =	sbarrier.arrive $0xFFFF  }
0xae: {  	_ =	strace $0x9000004D  }
0xaf: {  	s0 =	stileid.u32;
	[bflag:$0x2] =	sbarrier.arrive $0xFFFF  }
0xb0: {  	p0 =	sne.s32 s0, $0x0;
	s0 =	rddreg [dreg:$0x3]  }
0xb1: {  	s0 =	sadd.s32 @!p0 $0x100000, s0  }
0xb2: {  	[sflag:s0] =	ssyncadd.tile.s32 @!p0 $0x1;
	_ =	shalt  }
.Lfunc_end2:
_tile_overlayer_lowered:
.L_overlay_start_2:
0xb3: {  	(tag) =	ssettag $0x2  }
0xb4: {  	s0 =	rddreg [dreg:$0x0];
	s2 =	stileid.u32  }
0xb5: {  	s1 =	rddreg [dreg:$0x1];
	p0 =	sne.s32 s2, $0x0  }
0xb6: {  	s3 =	rddreg [dreg:$0x2];
	[bflag:$0x3] =	sbarrier.arrive $0xFFFF;
	s2 =	simm.s32 @!p0 $0x1C03  }
0xb7: {  	[timem:s3], [sflag:s2] =	dma.local @!p0 [hbm:s0], s1  }
0xb8: {  	s0 =	simm.s32 @!p0 $0x3  }
0xb9: {  	_ =	swait.ge @!p0 [sflag:s0], s1  }
0xba: {  	s1 =	ssub.s32 @!p0 $0x0, s1;
	[sflag:s0] =	ssyncset.done @!p0 $0x0  }
0xbb: {  	[sflag:s0] =	ssyncadd.s32 @!p0 s1  }
0xbc: {  	[bflag:$0x3] =	sbarrier.arrive $0xFFFF  }
0xbd: {  	_ =	shalt  }

// kernel: kernel.9.cloned.1.call-start
scs
__scs_entry_jumppad:
0x0: {  	(pc) =	sbr.rel $0x88, $3  }
0x1: {  	(tag) =	ssettag $0x0;
	lr =	simm.s32 $0x1  }
0x2: {  	[smem:$0x3F9A] =	sst lr;
	_ =	strace $0xD0000000  }
0x3: {  	_ = 	snop  }
0x4: {  	_ = 	snop  }
0x5: {  	_ = 	snop  }
0x6: {  	_ = 	snop  }
0x7: {  	_ = 	snop  }
__scs_overlays_trampoline_lowered:
0x8: {  	[smem:$0x3FA9] =	sst s0  }
0x9: {  	[smem:$0x3FAA] =	sst s1  }
0xa: {  	[smem:$0x3FAB] =	sst s2  }
0xb: {  	[smem:$0x3FAC] =	sst s3  }
0xc: {  	[smem:$0x3FAD] =	sst s4  }
0xd: {  	[smem:$0x3FAE] =	sst s5  }
0xe: {  	[smem:$0x3FAF] =	sst s6  }
0xf: {  	[smem:$0x3FB0] =	sst s7  }
0x10: {  	[smem:$0x3FB1] =	sst s8  }
0x11: {  	[smem:$0x3FB2] =	sst s9;
	s0 =	simm.s32 @!p0 $0x0  }
0x12: {  	s1 =	sld [smem:$0x3F98];
	s0 =	simm.s32 @p0 $0x1  }
0x13: {  	[smem:$0x3FB3] =	sst s0;
	s0 =	simm.s32 @!p1 $0x0  }
0x14: {  	s2 =	sld [smem:$0x3F97];
	s0 =	simm.s32 @p1 $0x1  }
0x15: {  	[smem:$0x3FB4] =	sst s0;
	s0 =	simm.s32 @!p2 $0x0  }
0x16: {  	s3 =	sld [smem:$0x3FDB];
	s0 =	simm.s32 @p2 $0x1  }
0x17: {  	s4 =	simm.s32 $0x1BF5;
	[smem:$0x3FB6] =	sst s0  }
0x18: {  	s0 =	sld [smem:$0x3F99];
	_ =	swait.ge [sflag:s4], $0x0  }
0x19: {  	s7 =	sld [smem:$0x3F9A]  }
0x1a: {  	s8 =	sadd.s32 $0xFFFFE003, lr  }
0x1b: {  	s9 =	sadd.s32 $0xFFFFFEF7, lr;
	s5 =	simm.s32 $0xFFFFFFFF;
	p2 =	slt.u32 s8, $0xFFFFF086  }
0x1c: {  	p1 =	slt.u32 s9, $0xF7A;
	s5 =	simm.s32 @!p2 $0x0  }
0x1d: {  	s5 =	simm.s32 @p1 $0x1;
	p0 =	seq.s32 s7, s2  }
0x1e: {  	s7 =	smul.u32 @!p0 $0xF7A, s2;
	p2 =	seq.s32 @!p0 s5, $0x0  }
0x1f: {  	s9 =	smul.u32 $0xF7A, s1;
	s8 =	simm.s32 @!p0 $0x1BF5;
	p2 =	por !p2, p0  }
0x20: {  	[sflag:s8] =	ssyncset.s32 @!p0 $0xFFFFF086;
	s6 =	sadd.s32 @!p0 s3, s7;
	s7 =	simm.s32 @!p0 $0x108  }
0x21: {  	s3 =	sadd.s32 s3, s9;
	s6 =	sadd.s32 @!p0 $0x88, s6;
	s7 =	simm.s32 @p2 $0x1082  }
0x22: {  	[simem:s7], [sflag:s8] =	dma.local @!p0 [hbm:s6], $0xF7A  }
0x23: {  	s9 =	sor.u32 $0xD0000000, s2;
	s6 =	simm.s32 $0x108;
	_ =	swait.ge @!p0 [sflag:s8], $0x0  }
0x24: {  	s3 =	sadd.s32 $0x88, s3;
	s6 =	simm.s32 @!p1 $0x1082;
	[sflag:s4] =	ssyncset.s32 $0xFFFFF086  }
0x25: {  	[simem:s6], [sflag:s4] =	dma.local [hbm:s3], $0xF7A  }
0x26: {  	[smem:$0x3F9A] =	sst s1;
	(tag) =	ssettag s2;
	_ =	strace s9  }
0x27: {  	s1 =	sld [smem:$0x3FAA]  }
0x28: {  	s2 =	sld [smem:$0x3FAB]  }
0x29: {  	s4 =	sld [smem:$0x3FAD]  }
0x2a: {  	p0 =	seq.s32 s5, $0x0;
	s5 =	sld [smem:$0x3FAE]  }
0x2b: {  	s6 =	sld [smem:$0x3FAF]  }
0x2c: {  	s7 =	sld [smem:$0x3FB0]  }
0x2d: {  	s3 =	simm.s32 $0x108;
	s8 =	sld [smem:$0x3FB1]  }
0x2e: {  	s3 =	simm.s32 @!p0 $0x1082;
	s9 =	sld [smem:$0x3FB2]  }
0x2f: {  	lr =	sadd.s32 s0, s3;
	s0 =	sld [smem:$0x3FA9]  }
0x30: {  	s3 =	sld [smem:$0x3FAC]  }
0x31: {  	[smem:$0x3FB5] =	sst s10  }
0x32: {  	s10 =	sld [smem:$0x3FB3];
	_ =	sdelay $0x3  }
0x33: {  	p0 =	seq.s32 s10, $0x1;
	s10 =	sld [smem:$0x3FB5];
	_ =	sdelay $0x3  }
0x34: {  	[smem:$0x3FB5] =	sst s10  }
0x35: {  	s10 =	sld [smem:$0x3FB4];
	_ =	sdelay $0x3  }
0x36: {  	p1 =	seq.s32 s10, $0x1;
	s10 =	sld [smem:$0x3FB5];
	_ =	sdelay $0x3  }
0x37: {  	[smem:$0x3FB5] =	sst s10  }
0x38: {  	s10 =	sld [smem:$0x3FB6]  }
0x39: {  	_ = 	snop;
	(pc) =	sbr.ind lr, $3  }
0x3a: {  	_ = 	snop  }
0x3b: {  	_ = 	snop  }
0x3c: {  	p2 =	seq.s32 s10, $0x1;
	s10 =	sld [smem:$0x3FB5]  }
0x3d: {  	_ =	shalt  }
0x3e: {  	_ =	shalt  }
0x3f: {  	_ =	shalt  }
0x40: {  	_ =	shalt  }
0x41: {  	_ =	shalt  }
0x42: {  	_ =	shalt  }
0x43: {  	_ =	shalt  }
0x44: {  	_ =	shalt  }
0x45: {  	_ =	shalt  }
0x46: {  	_ =	shalt  }
0x47: {  	_ =	shalt  }
0x48: {  	_ =	shalt  }
0x49: {  	_ =	shalt  }
0x4a: {  	_ =	shalt  }
0x4b: {  	_ =	shalt  }
0x4c: {  	_ =	shalt  }
0x4d: {  	_ =	shalt  }
0x4e: {  	_ =	shalt  }
0x4f: {  	_ =	shalt  }
0x50: {  	_ =	shalt  }
0x51: {  	_ =	shalt  }
0x52: {  	_ =	shalt  }
0x53: {  	_ =	shalt  }
0x54: {  	_ =	shalt  }
0x55: {  	_ =	shalt  }
0x56: {  	_ =	shalt  }
0x57: {  	_ =	shalt  }
0x58: {  	_ =	shalt  }
0x59: {  	_ =	shalt  }
0x5a: {  	_ =	shalt  }
0x5b: {  	_ =	shalt  }
0x5c: {  	_ =	shalt  }
0x5d: {  	_ =	shalt  }
0x5e: {  	_ =	shalt  }
0x5f: {  	_ =	shalt  }
0x60: {  	_ =	shalt  }
0x61: {  	_ =	shalt  }
0x62: {  	_ =	shalt  }
0x63: {  	_ =	shalt  }
0x64: {  	_ =	shalt  }
0x65: {  	_ =	shalt  }
0x66: {  	_ =	shalt  }
0x67: {  	_ =	shalt  }
0x68: {  	_ =	shalt  }
0x69: {  	_ =	shalt  }
0x6a: {  	_ =	shalt  }
0x6b: {  	_ =	shalt  }
0x6c: {  	_ =	shalt  }
0x6d: {  	_ =	shalt  }
0x6e: {  	_ =	shalt  }
0x6f: {  	_ =	shalt  }
0x70: {  	_ =	shalt  }
0x71: {  	_ =	shalt  }
0x72: {  	_ =	shalt  }
0x73: {  	_ =	shalt  }
0x74: {  	_ =	shalt  }
0x75: {  	_ =	shalt  }
0x76: {  	_ =	shalt  }
0x77: {  	_ =	shalt  }
0x78: {  	_ =	shalt  }
0x79: {  	_ =	shalt  }
0x7a: {  	_ =	shalt  }
0x7b: {  	_ =	shalt  }
0x7c: {  	_ =	shalt  }
0x7d: {  	_ =	shalt  }
0x7e: {  	_ =	shalt  }
0x7f: {  	_ =	shalt  }
0x80: {  	_ =	shalt  }
0x81: {  	_ =	shalt  }
0x82: {  	_ =	shalt  }
0x83: {  	_ =	shalt  }
0x84: {  	_ =	shalt  }
0x85: {  	_ =	shalt  }
0x86: {  	_ =	shalt  }
0x87: {  	_ =	shalt  }
.Lfunc_end0:
.L_simem_size_0:
called_computation_lowered:
.L_overlay_start_0:
0x88: {  	s2 =	sld [smem:$0x3FD9]  }
0x89: {  	s3 =	sld [smem:$0x3FFE];
	_ =	sdelay $0x1  }
0x8a: {  	s1 =	srdreg.scid  }
0x8b: {  	s0 =	sand.u32 $0x1, s1  }
0x8c: {  	s14 =	sshll.u32 s0, $0xA;
	s2 =	sadd.s32 s3, s2  }
0x8d: {  	s2 =	sadd.s32 s2, s14  }
0x8e: {  	[smem:$0x3FC1] =	sst s2  }
0x8f: {  	_ = 	snop  }
0x90: {  	s2 =	sld [smem:$0x3FD0];
	_ =	sdelay $0x2  }
0x91: {  	s15 =	simm.s32 $0xA;
	s4 =	simm.s32 $0x10  }
0x92: {  	[smem:s4], [sflag:s15] =	dma.local [hbm:s2], $0x1  }
0x93: {  	_ =	swait.eq [sflag:s15], $0x1  }
0x94: {  	[sflag:s15] =	ssyncset.done $0x0  }
0x95: {  	[sflag:s15] =	ssyncadd.s32 $0xFFFFFFFF  }
0x96: {  	s16 =	sld [smem:$0x10];
	(tm) =	ssettm $0x1  }
0x97: {  	s17 =	sld [smem:$0x3FFB];
	_ =	sdelay $0x3  }
0x98: {  	_ =	strace s17  }
0x99: {  	s3 =	sld [smem:$0x3FFC];
	_ =	sdelay $0x3  }
0x9a: {  	_ =	strace s3  }
0x9b: {  	s3 =	sld [smem:$0x3FFD];
	_ =	sdelay $0x3  }
0x9c: {  	_ =	strace s3  }
0x9d: {  	_ =	strace $0x8FFFFFFF  }
0x9e: {  	s18 =	sld [smem:$0x3FDB];
	_ =	sdelay $0x1  }
0x9f: {  	s19 =	simm.s32 $_scs_section_size  }
0xa0: {  	s5 =	simm.s32 $_size__tile_overlayer_lowered;
	s6 =	simm.s32 $_tile_overlayer_lowered  }
0xa1: {  	s22 =	simm.s32 $0x1BFF;
	s21 =	sshll.u32 s6, $0x1;
	s3 =	sadd.s32 s19, s18  }
0xa2: {  	s7 =	simm.s32 $0x0;
	s20 =	sshll.u32 s5, $0x1;
	s5 =	sadd.s32 s21, s3  }
0xa3: {  	[timem:s7], [sflag:s22] =	dma.local [hbm:s5], s20  }
0xa4: {  	_ =	swait.ge [sflag:s22], s20  }
0xa5: {  	s4 =	ssub.s32 $0x0, s20;
	[sflag:s22] =	ssyncset.done $0x0  }
0xa6: {  	[sflag:s22] =	ssyncadd.s32 s4;
	_ =	sdelay $0x1  }
0xa7: {  	s23 =	simm.s32 $0x1B8B  }
0xa8: {  	_ =	swait.ge [sflag:s23], $0x1  }
0xa9: {  	[sflag:s23] =	ssyncset.done $0x0  }
0xaa: {  	s25 =	simm.s32 $0x1B8E;
	s24 =	sld [smem:$0x3FFE];
	[sflag:s23] =	ssyncadd.s32 $0xFFFFFFFF  }
0xab: {  	s26 =	simm.s32 $execute0_lowered;
	[smem:$0x3FD2] =	sst s25  }
0xac: {  	s5 =	sshll.u32 s26, $0x1;
	_ =	strace $0x80000046;
	[dreg:$0x1] =	wrdreg $0xFFFFFFFF  }
0xad: {  	s28 =	simm.s32 $_size_execute0_lowered;
	s3 =	sadd.s32 s3, s5;
	[dreg:$0x0] =	wrdreg $0x0  }
0xae: {  	s5 =	sshll.u32 s28, $0x1;
	[dreg:$0x2] =	wrdreg s3  }
0xaf: {  	[dreg:$0x3] =	wrdreg s5  }
0xb0: {  	[dreg:$0x4] =	wrdreg $0xC0  }
0xb1: {  	_ =	task [dreg:s7], $0x5FFFF  }
0xb2: {  	[dreg:$0x1] =	wrdreg $0xFFFFFFFF  }
0xb3: {  	[dreg:$0x0] =	wrdreg $0x60  }
0xb4: {  	[dreg:$0x2] =	wrdreg s16  }
0xb5: {  	[dreg:$0x3] =	wrdreg s24  }
0xb6: {  	[dreg:$0x4] =	wrdreg $0x124000  }
0xb7: {  	[dreg:$0x5] =	wrdreg $0x9  }
0xb8: {  	_ =	task.clear_ibuf [dreg:s7], $0x6FFFF;
	_ =	strace $0x90000046  }
0xb9: {  	s29 =	simm.s32 $0x9;
	_ =	strace $0x80000048  }
0xba: {  	_ =	swait.ge [sflag:s29], $0x1  }
0xbb: {  	[sflag:s29] =	ssyncadd.s32 $0xFFFFFFFF  }
0xbc: {  	_ =	strace $0x90000048  }
0xbd: {  	_ =	sfence  }
0xbe: {  	s30 =	sld [smem:$0x0];
	_ =	sdelay $0x2  }
0xbf: {  	s31 =	sshll.u32 s1, $0xD;
	s1 =	sshrl.u32 s1, $0x2  }
0xc0: {  	s3 =	sand.u32 $0x4000, s31;
	s1 =	sadd.s32 s1, s30  }
0xc1: {  	s0 =	sor.u32 s3, s0;
	s1 =	sshll.u32 s1, $0x11  }
0xc2: {  	s0 =	sor.u32 s1, s0  }
0xc3: {  	s0 =	sadd.s32 $0x8F2B, s0  }
0xc4: {  	[sflag:s0] =	ssyncadd.remote.s32 $0x1  }
0xc5: {  	_ =	sfence.sel $0xFFFF  }
0xc6: {  	[dreg:$0x0] =	wrdreg $0xFFFFFFFF;
	(pc) =	sbr.abs _section_cstart, $3  }
0xc7: {  	[dreg:$0x1] =	wrdreg $0xFFFFFFFF  }
0xc8: {  	_ =	task.clear_ibuf [dreg:s7], $0x2FFFF;
	_ =	strace $0x9FFFFFFF  }
0xc9: {  	(tm) =	ssettm $0x7FFFFFFF  }
tec
execute0_lowered:
.L_overlay_start_1:
0x0: {  	(tag) =	ssettag $0x1  }
0x1: {  	s5 =	rddreg [dreg:$0x0]  }
0x2: {  	s0 =	srdreg.scid;
	s4 =	rddreg [dreg:$0x1]  }
0x3: {  	s2 =	rddreg [dreg:$0x2];
	s6 =	sand.u32 $0x1, s0  }
0x4: {  	s0 =	stileid.u32;
	s7 =	smul.u32 $0xA0000, s6  }
0x5: {  	s1 =	rddreg [dreg:$0x3];
	s8 =	smul.u32 $0xA000, s0  }
0x6: {  	s3 =	simm.s32 $0x0;
	s10 =	simm.s32 $0x50;
	s9 =	smul.u32 $0x28800, s0  }
0x7: {  	[smem:$0x7FF] =	sst s3;
	s25 =	ssub.s32 $0x2, s6;
	s29 =	smul.u32 $0x28000, s0  }
0x8: {  	_ =	strace $0x80000047;
	s11 =	smul.u32 $0xFFFFEC00, s6;
	s30 =	sshll.u32 s0, $0xC  }
0x9: {  	s13 =	sshll.u32 s0, $0x6;
	s26 =	sshrl.u32 s25, $0x1;
	s5 =	sadd.s32 s5, s30  }
0xa: {  	s7 =	sadd.s32 s8, s7;
	s8 =	ssub.s32 s25, s26;
	s28 =	sshrl.u32 s9, $0x2  }
0xb: {  	s31 =	sshrl.u32 s29, $0x2;
	s9 =	simm.s32 $0x1;
	v0 =	vmov s11;
	s11 =	sor.u32 $0x1C01, s13  }
0xc: {  	s13 =	simm.s32 $0x0;
	s7 =	sshrl.u32 s7, $0x3;
	s12 =	sadd.s32 s31, s2  }
0xd: {  	s7 =	sadd.s32 s7, s4;
	s4 =	sadd.s32 s28, s2;
	s12 =	sshrl.u32 s12, $0x3  }
0xe: {  	v1 =	vimm.f32 $0.0e+00;
	v2 =	vimm.f32 $1.000000000e+00;
	s6 =	sadd.s32 $0x2800, s7;
	s7 =	smax.u32 s8, $0x1;
	s8 =	simm.s32 $0x8000  }
.LBB2_1:
0xf: {  	s14 =	simm.s32 $0x200;
	s15 =	simm.s32 $0x0  }
.LBB2_2:
0x10: {  	p0 =	sne.s32 s14, $0x28600;
	[tilespmem:s15+$0x8000] =	vst v1;
	s15 =	smov.u32 s14;
	s14 =	sadd.s32 $0x200, s14  }
.Ltmp0:
0x11: {  	(pc) =	sbr.rel @p0 .LBB2_2-.Ltmp0, $2  }
0x12: {  	_ =	sdelay $0x2  }
0x13: {  	s15 =	sshra.s32 s15, $0x2  }
0x14: {  	[tilespmem:s15+$0x8000] =	vst v1  }
0x15: {  	[spmem:s4] =	stream.linear.scatter [tilespmem:s8], [sflag:$0x1], $0xA200, $0x38;
	[tilespmem:$0x13840] =	vst v63  }
0x16: {  	_ =	swait.ge [sflag:s9], $0xA200  }
0x17: {  	[sflag:s9] =	ssyncset.done $0x0  }
0x18: {  	s14 =	simm.s32 $0x200;
	s15 =	simm.s32 $0x0;
	[sflag:s9] =	ssyncadd.s32 $0xFFFF5E00  }
.LBB2_4:
0x19: {  	p0 =	sne.s32 s14, $0x9E00;
	[tilespmem:s15+$0x8000] =	vst v2;
	s15 =	smov.u32 s14;
	s14 =	sadd.s32 $0x200, s14  }
.Ltmp1:
0x1a: {  	(pc) =	sbr.rel @p0 .LBB2_4-.Ltmp1, $2  }
0x1b: {  	_ =	sdelay $0x2  }
0x1c: {  	s15 =	sshra.s32 s15, $0x2  }
0x1d: {  	[tilespmem:s15+$0x8000] =	vst v2  }
0x1e: {  	[tilespmem:s3], [sflag:$0x1] =	stream.linear.gather [hbm4b:s5+s3], $0x7D00, $0x38;
	[tilespmem:$0x13840] =	vst v63  }
0x1f: {  	_ =	swait.ge [sflag:s9], $0x7D00  }
0x20: {  	[sflag:s9] =	ssyncset.done $0x0  }
0x21: {  	s14 =	simm.s32 $0x40;
	[sflag:s9] =	ssyncadd.s32 $0xFFFF8300  }
0x22: {  	v3 =	vld [tilespmem:s14+$0xFFFFFFC0]  }
0x23: {  	v4 =	vld [tilespmem:s14+$0xFFFFFFD0]  }
0x24: {  	v5 =	vld [tilespmem:s14+$0xFFFFFFE0]  }
0x25: {  	v6 =	vld [tilespmem:s14+$0x0]  }
0x26: {  	v7 =	vld [tilespmem:s14+$0xFFFFFFF0]  }
0x27: {  	v3 =	vadd.s32 v0, v3  }
0x28: {  	v4 =	vadd.s32 v0, v4;
	v3 =	vmin.u32 v3, $0x1400  }
0x29: {  	s15 =	simm.s32 $0xC0;
	v5 =	vadd.s32 v0, v5;
	v4 =	vmin.u32 v4, $0x1400;
	[tilespmem:s14+$0xFFFFFFC0] =	vst v3  }
0x2a: {  	v6 =	vadd.s32 v0, v6;
	v5 =	vmin.u32 v5, $0x1400;
	v3 =	vld [tilespmem:s15+$0xFFFFFFC0];
	[tilespmem:s14+$0xFFFFFFD0] =	vst v4  }
0x2b: {  	v7 =	vadd.s32 v0, v7;
	v8 =	vmin.u32 v6, $0x1400;
	v4 =	vld [tilespmem:s15+$0xFFFFFFD0];
	[tilespmem:s14+$0xFFFFFFE0] =	vst v5  }
0x2c: {  	s16 =	simm.s32 $0x500;
	v6 =	vmin.u32 v7, $0x1400;
	v5 =	vld [tilespmem:s15+$0xFFFFFFE0];
	[tilespmem:s14+$0x0] =	vst v8  }
.LBB2_6:
0x2d: {  	p0 =	sne.s32 s16, $0x1F300;
	v7 =	vld [tilespmem:s15+$0x0];
	[tilespmem:s14+$0xFFFFFFF0] =	vst v6;
	s14 =	smov.u32 s15  }
0x2e: {  	v6 =	vld [tilespmem:s14+$0xFFFFFFF0]  }
0x2f: {  	v3 =	vadd.s32 v0, v3  }
.Ltmp2:
0x30: {  	v3 =	vmin.u32 v3, $0x1400;
	v4 =	vadd.s32 v0, v4;
	(pc) =	sbr.rel @p0 .LBB2_6-.Ltmp2, $4  }
0x31: {  	s15 =	sshra.s32 s16, $0x2;
	[tilespmem:s14+$0xFFFFFFC0] =	vst v3;
	v4 =	vmin.u32 v4, $0x1400;
	v5 =	vadd.s32 v0, v5  }
0x32: {  	v3 =	vld [tilespmem:s15+$0xFFFFFFC0];
	[tilespmem:s14+$0xFFFFFFD0] =	vst v4;
	v5 =	vmin.u32 v5, $0x1400;
	v7 =	vadd.s32 v0, v7  }
0x33: {  	v4 =	vld [tilespmem:s15+$0xFFFFFFD0];
	[tilespmem:s14+$0xFFFFFFE0] =	vst v5;
	v6 =	vadd.s32 v0, v6;
	v7 =	vmin.u32 v7, $0x1400  }
0x34: {  	s16 =	sadd.s32 $0x200, s16;
	v5 =	vld [tilespmem:s15+$0xFFFFFFE0];
	v6 =	vmin.u32 v6, $0x1400;
	[tilespmem:s14+$0x0] =	vst v7  }
0x35: {  	v7 =	vld [tilespmem:s15+$0x0];
	[tilespmem:s14+$0xFFFFFFF0] =	vst v6  }
0x36: {  	v6 =	vld [tilespmem:s15+$0xFFFFFFF0]  }
0x37: {  	v3 =	vadd.s32 v0, v3  }
0x38: {  	v3 =	vmin.u32 v3, $0x1400;
	v4 =	vadd.s32 v0, v4  }
0x39: {  	[tilespmem:s15+$0xFFFFFFC0] =	vst v3;
	v3 =	vmin.u32 v4, $0x1400;
	v62 =	vadd.s32 v0, v5  }
0x3a: {  	[tilespmem:s15+$0xFFFFFFD0] =	vst v3;
	v3 =	vmin.u32 v62, $0x1400;
	v63 =	vadd.s32 v0, v7  }
0x3b: {  	[tilespmem:s15+$0xFFFFFFE0] =	vst v3;
	v3 =	vadd.s32 v0, v6;
	v4 =	vmin.u32 v63, $0x1400  }
0x3c: {  	v3 =	vmin.u32 v3, $0x1400;
	[tilespmem:s15+$0x0] =	vst v4  }
0x3d: {  	[tilespmem:s15+$0xFFFFFFF0] =	vst v3  }
0x3e: {  	s31 =	simm.s32 $0x0;
	[bflag:$0x0] =	sbarrier.arrive $0xFFFF  }
0x3f: {  	[spmem:s2] =	stream.indirect.scatter.add.f32 [tilespmem:s8], [sflag:$0x1], $0x10, s31, s10, $0xb8;
	[tilespmem:$0x13840] =	vst v63  }
0x40: {  	_ =	swait.ge [sflag:s9], $0x500  }
0x41: {  	s14 =	simm.s32 $0x200;
	[sflag:s9] =	ssyncset.done $0x0  }
.LBB2_8:
0x42: {  	s15 =	sshra.s32 s14, $0x2;
	[sflag:s9] =	ssyncadd.s32 $0xFFFFFB00;
	p0 =	sne.s32 s14, $0x1F200  }
0x43: {  	[spmem:s2] =	stream.indirect.scatter.add.f32 [tilespmem:s8], [sflag:$0x1], $0x10, s15, s10, $0xb8;
	[tilespmem:$0x13840] =	vst v63  }
.Ltmp3:
0x44: {  	_ = 	snop;
	(pc) =	sbr.rel @p0 .LBB2_8-.Ltmp3, $4  }
0x45: {  	_ = 	snop  }
0x46: {  	s14 =	sadd.s32 $0x200, s14  }
0x47: {  	_ =	swait.ge [sflag:s9], $0x500  }
0x48: {  	[sflag:s9] =	ssyncset.done $0x0  }
0x49: {  	s13 =	sadd.s32 $0x1, s13  }
0x4a: {  	[sflag:s9] =	ssyncadd.s32 $0xFFFFFB00;
	p0 =	sne.s32 s13, s7  }
.Ltmp4:
0x4b: {  	[bflag:$0x0] =	sbarrier.arrive $0xFFFF;
	(pc) =	sbr.rel @p0 .LBB2_1-.Ltmp4, $4  }
0x4c: {  	[hbm:s6], [sflag:s11] =	dma.local [spmem:s12], $0x1400  }
0x4d: {  	_ =	swait.ge [sflag:s9], $0x1400  }
0x4e: {  	[sflag:s9] =	ssyncset.done $0x0  }
0x4f: {  	[sflag:s9] =	ssyncadd.s32 $0xFFFFEC00  }
0x50: {  	_ =	sfence.sel $0x180000  }
0x51: {  	[bflag:$0x0] =	sbarrier.arrive $0xFFFF  }
0x52: {  	p0 =	sne.s32 s0, $0x0;
	_ =	strace $0x90000047  }
0x53: {  	s0 =	sadd.s32 @!p0 $0x100000, s1;
	[bflag:$0x2] =	sbarrier.arrive $0xFFFF  }
0x54: {  	[sflag:s0] =	ssyncadd.tile.s32 @!p0 $0x1;
	_ =	shalt  }
.Lfunc_end2:
_tile_overlayer_lowered:
.L_overlay_start_2:
0x55: {  	(tag) =	ssettag $0x2  }
0x56: {  	s0 =	rddreg [dreg:$0x0];
	s2 =	stileid.u32  }
0x57: {  	s1 =	rddreg [dreg:$0x1];
	p0 =	sne.s32 s2, $0x0  }
0x58: {  	s3 =	rddreg [dreg:$0x2];
	[bflag:$0x3] =	sbarrier.arrive $0xFFFF;
	s2 =	simm.s32 @!p0 $0x1C01  }
0x59: {  	[timem:s3], [sflag:s2] =	dma.local @!p0 [hbm:s0], s1  }
0x5a: {  	s0 =	simm.s32 @!p0 $0x1  }
0x5b: {  	_ =	swait.ge @!p0 [sflag:s0], s1  }
0x5c: {  	s1 =	ssub.s32 @!p0 $0x0, s1;
	[sflag:s0] =	ssyncset.done @!p0 $0x0  }
0x5d: {  	[sflag:s0] =	ssyncadd.s32 @!p0 s1  }
0x5e: {  	[bflag:$0x3] =	sbarrier.arrive $0xFFFF  }
0x5f: {  	_ =	shalt  }

</sc_bundles>
